<compile_context>
chip_gen: v7x
topology: tpu7x:2x2x1
jax: 0.10.2.dev20260603
libtpu: 0.0.44.dev20260713+nightly
codegen_flags: <defaults>
</compile_context>

<pallas_src>
import functools

import jax
import jax.numpy as jnp
from jax import lax
from jax.experimental import pallas as pl
from jax.experimental.pallas import tpu as pltpu
from jax.experimental.pallas import tpu_sc as plsc

_B0, _B1 = 16384, 26
_D = 32
_NE = 1000000
_B = _B0 * _B1
_NC, _NS = 2, 16
_NW = _NC * _NS
_BPW = _B // _NW
_CH = 1664
_NG = _BPW // _CH
_NB = 2

_mesh = plsc.VectorSubcoreMesh(core_axis_name="c", subcore_axis_name="s")


@functools.partial(
    pl.kernel,
    mesh=_mesh,
    out_type=jax.ShapeDtypeStruct((_B, _D), jnp.float32),
    scratch_types=[
        pltpu.VMEM((_NB, _CH), jnp.int32),
        pltpu.VMEM((_NB, _CH, _D), jnp.float32),
        pltpu.SemaphoreType.DMA,
        pltpu.SemaphoreType.DMA,
        pltpu.SemaphoreType.DMA,
        pltpu.SemaphoreType.DMA,
        pltpu.SemaphoreType.DMA,
        pltpu.SemaphoreType.DMA,
    ],
    compiler_params=pltpu.CompilerParams(use_tc_tiling_on_sc=False),
)
def _embed(idx_hbm, table_hbm, out_hbm, idx_v, rows_v,
           sem_i0, sem_i1, sem_g0, sem_g1, sem_o0, sem_o1):
    sem_i = (sem_i0, sem_i1)
    sem_g = (sem_g0, sem_g1)
    sem_o = (sem_o0, sem_o1)
    wid = lax.axis_index("s") * _NC + lax.axis_index("c")
    base = wid * _BPW

    idx_h = [None] * _NG
    gat_h = [None] * _NG
    out_h = [None] * _NG

    def load_idx(g):
        b = g % _NB
        return pltpu.async_copy(
            idx_hbm.at[pl.ds(base + g * _CH, _CH)], idx_v.at[b], sem_i[b])

    for g in range(_NB):
        idx_h[g] = load_idx(g)

    for g in range(_NG):
        b = g % _NB
        idx_h[g].wait()
        if g >= _NB:
            out_h[g - _NB].wait()
        gat_h[g] = pltpu.async_copy(
            table_hbm.at[idx_v.at[b]], rows_v.at[b], sem_g[b])
        if g >= 1:
            p = g - 1
            bp = p % _NB
            gat_h[p].wait()
            out_h[p] = pltpu.async_copy(
                rows_v.at[bp], out_hbm.at[pl.ds(base + p * _CH, _CH)],
                sem_o[bp])
            if p + _NB < _NG:
                idx_h[p + _NB] = load_idx(p + _NB)

    g = _NG - 1
    b = g % _NB
    gat_h[g].wait()
    out_h[g] = pltpu.async_copy(
        rows_v.at[b], out_hbm.at[pl.ds(base + g * _CH, _CH)], sem_o[b])
    out_h[g - 1].wait()
    out_h[g].wait()


def kernel(batch, table):
    idx4 = batch.reshape(_B) * 4
    pt = jnp.pad(table, ((0, 0), (0, 96)))
    out = _embed(idx4, jnp.reshape(pt, (4 * _NE, _D)))
    return out.reshape(_B0, _B1, _D)

# --- scband reference (transcript-rebuilt; emitter-appended) ---
"""Pipeline reference for scband-embed-42288247996882 (READ-ONLY COPY).

The authoritative reference and input builder live on the scoring server;
editing this copy changes nothing except your own understanding.
"""

import jax, jax.numpy as jnp
import numpy as np

NUM_EMBEDDINGS = 1000000
EMBEDDING_DIM = 32
BATCH_SHAPE = (16384, 26)

def setup_inputs(seed: int = 0) -> dict:
    key = jax.random.key(seed)
    k_idx, k_tab = jax.random.split(key)
    batch = jax.random.randint(k_idx, BATCH_SHAPE, 0, NUM_EMBEDDINGS, dtype=jnp.int64 if jax.config.jax_enable_x64 else jnp.int32)
    table = jax.random.normal(k_tab, (NUM_EMBEDDINGS, EMBEDDING_DIM), dtype=jnp.float32)
    return {"batch": batch, "table": table}

def reference(batch, table):
    # nn.Embedding forward: row gather from the embedding table
    return jnp.take(table, batch, axis=0)

if __name__ == "__main__":
    import jax
    _d = setup_inputs()
    print(jax.jit(kernel)(*tuple(_d.values())))

</pallas_src>

<mosaic_0001>
#map = affine_map<(d0, d1) -> (0)>
#map1 = affine_map<(d0, d1) -> (0, 0)>
module attributes {stable_mosaic.version = 14 : i64} {
  func.func @_embed(%arg0: i32, %arg1: i32, %arg2: memref<425984xi32, #tpu.memory_space<hbm>>, %arg3: memref<4000000x32xf32, #tpu.memory_space<hbm>>, %arg4: memref<425984x32xf32, #tpu.memory_space<hbm>>, %arg5: memref<2x1664xi32, #tpu.memory_space<vmem>>, %arg6: memref<2x1664x32xf32, #tpu.memory_space<vmem>>, %arg7: memref<!tpu.dma_semaphore, #tpu.memory_space<semaphore_mem>>, %arg8: memref<!tpu.dma_semaphore, #tpu.memory_space<semaphore_mem>>, %arg9: memref<!tpu.dma_semaphore, #tpu.memory_space<semaphore_mem>>, %arg10: memref<!tpu.dma_semaphore, #tpu.memory_space<semaphore_mem>>, %arg11: memref<!tpu.dma_semaphore, #tpu.memory_space<semaphore_mem>>, %arg12: memref<!tpu.dma_semaphore, #tpu.memory_space<semaphore_mem>>) attributes {dimension_semantics = [#tpu.dimension_semantics<core_parallel>, #tpu.dimension_semantics<subcore_parallel>], iteration_bounds = array<i64: 2, 16>, scalar_prefetch = 0 : i64, scratch_operands = 8 : i64, tpu.core_type = #tpu.core_type<sc_vector_subcore>, window_params = [{transform_indices = #map}, {transform_indices = #map1}, {transform_indices = #map1}]} {
    %mul3A = arith.constant 2 : i32
    %mul3A_0 = arith.muli %arg1, %mul3A : i32
    %add3A = arith.addi %mul3A_0, %arg0 : i32
    %mul3A_1 = arith.constant 13312 : i32
    %mul3A_2 = arith.muli %add3A, %mul3A_1 : i32
    %add3A_3 = arith.constant 0 : i32
    %add3A_4 = arith.addi %mul3A_2, %add3A_3 : i32
    %dma_start3A = arith.constant 0 : i32
    %dma_start3A_5 = arith.constant 0 : i32
    %dma_start3A_6 = tpu.memref_slice %arg5[%dma_start3A, %dma_start3A_5] : memref<2x1664xi32, #tpu.memory_space<vmem>> -> memref<1x1664xi32, #tpu.memory_space<vmem>>
    %dma_start3A_7 = tpu.memref_squeeze %dma_start3A_6 : memref<1x1664xi32, #tpu.memory_space<vmem>> -> memref<1664xi32, #tpu.memory_space<vmem>>
    %dma_start3A_8 = tpu.memref_slice %arg2[%add3A_4] : memref<425984xi32, #tpu.memory_space<hbm>> -> memref<1664xi32, #tpu.memory_space<hbm>>
    %dma_start3A_9 = arith.constant 0 : i32
    %dma_start3A_10 = tpu.memref_slice %arg5[%dma_start3A, %dma_start3A_9] : memref<2x1664xi32, #tpu.memory_space<vmem>> -> memref<1x1664xi32, #tpu.memory_space<vmem>>
    %dma_start3A_11 = tpu.memref_squeeze %dma_start3A_10 : memref<1x1664xi32, #tpu.memory_space<vmem>> -> memref<1664xi32, #tpu.memory_space<vmem>>
    %dma_start3A_12 = tpu.memref_slice %arg2[%add3A_4] : memref<425984xi32, #tpu.memory_space<hbm>> -> memref<1664xi32, #tpu.memory_space<hbm>>
    tpu.enqueue_dma source(%dma_start3A_12 : memref<1664xi32, #tpu.memory_space<hbm>>) target(%dma_start3A_11 : memref<1664xi32, #tpu.memory_space<vmem>>) target_semaphore(%arg7 : memref<!tpu.dma_semaphore, #tpu.memory_space<semaphore_mem>>)
    %add3A_13 = arith.constant 1664 : i32
    %add3A_14 = arith.addi %mul3A_2, %add3A_13 : i32
    %dma_start3A_15 = arith.constant 1 : i32
    %dma_start3A_16 = arith.constant 0 : i32
    %dma_start3A_17 = tpu.memref_slice %arg5[%dma_start3A_15, %dma_start3A_16] : memref<2x1664xi32, #tpu.memory_space<vmem>> -> memref<1x1664xi32, #tpu.memory_space<vmem>>
    %dma_start3A_18 = tpu.memref_squeeze %dma_start3A_17 : memref<1x1664xi32, #tpu.memory_space<vmem>> -> memref<1664xi32, #tpu.memory_space<vmem>>
    %dma_start3A_19 = tpu.memref_slice %arg2[%add3A_14] : memref<425984xi32, #tpu.memory_space<hbm>> -> memref<1664xi32, #tpu.memory_space<hbm>>
    %dma_start3A_20 = arith.constant 0 : i32
    %dma_start3A_21 = tpu.memref_slice %arg5[%dma_start3A_15, %dma_start3A_20] : memref<2x1664xi32, #tpu.memory_space<vmem>> -> memref<1x1664xi32, #tpu.memory_space<vmem>>
    %dma_start3A_22 = tpu.memref_squeeze %dma_start3A_21 : memref<1x1664xi32, #tpu.memory_space<vmem>> -> memref<1664xi32, #tpu.memory_space<vmem>>
    %dma_start3A_23 = tpu.memref_slice %arg2[%add3A_14] : memref<425984xi32, #tpu.memory_space<hbm>> -> memref<1664xi32, #tpu.memory_space<hbm>>
    tpu.enqueue_dma source(%dma_start3A_23 : memref<1664xi32, #tpu.memory_space<hbm>>) target(%dma_start3A_22 : memref<1664xi32, #tpu.memory_space<vmem>>) target_semaphore(%arg8 : memref<!tpu.dma_semaphore, #tpu.memory_space<semaphore_mem>>)
    %dma_wait3A = arith.constant 0 : i32
    %dma_wait3A_24 = arith.constant 0 : i32
    %dma_wait3A_25 = tpu.memref_slice %arg5[%dma_wait3A, %dma_wait3A_24] : memref<2x1664xi32, #tpu.memory_space<vmem>> -> memref<1x1664xi32, #tpu.memory_space<vmem>>
    %dma_wait3A_26 = tpu.memref_squeeze %dma_wait3A_25 : memref<1x1664xi32, #tpu.memory_space<vmem>> -> memref<1664xi32, #tpu.memory_space<vmem>>
    %dma_wait3A_27 = tpu.memref_slice %arg2[%add3A_4] : memref<425984xi32, #tpu.memory_space<hbm>> -> memref<1664xi32, #tpu.memory_space<hbm>>
    %dma_wait3A_28 = arith.constant 0 : i32
    %dma_wait3A_29 = tpu.memref_slice %arg5[%dma_wait3A, %dma_wait3A_28] : memref<2x1664xi32, #tpu.memory_space<vmem>> -> memref<1x1664xi32, #tpu.memory_space<vmem>>
    %dma_wait3A_30 = tpu.memref_squeeze %dma_wait3A_29 : memref<1x1664xi32, #tpu.memory_space<vmem>> -> memref<1664xi32, #tpu.memory_space<vmem>>
    %dma_wait3A_31 = tpu.memref_slice %arg2[%add3A_4] : memref<425984xi32, #tpu.memory_space<hbm>> -> memref<1664xi32, #tpu.memory_space<hbm>>
    tpu.wait_dma2 semaphore(%arg7 : memref<!tpu.dma_semaphore, #tpu.memory_space<semaphore_mem>>) src(%dma_wait3A_31 : memref<1664xi32, #tpu.memory_space<hbm>>) dst(%dma_wait3A_30 : memref<1664xi32, #tpu.memory_space<vmem>>)
    %dma_start3A_32 = arith.constant 0 : i32
    %dma_start3A_33 = arith.constant 0 : i32
    %dma_start3A_34 = arith.constant 0 : i32
    %dma_start3A_35 = arith.constant 0 : i32
    %dma_start3A_36 = tpu.memref_slice %arg6[%dma_start3A_33, %dma_start3A_34, %dma_start3A_35] : memref<2x1664x32xf32, #tpu.memory_space<vmem>> -> memref<1x1664x32xf32, #tpu.memory_space<vmem>>
    %dma_start3A_37 = tpu.memref_squeeze %dma_start3A_36 : memref<1x1664x32xf32, #tpu.memory_space<vmem>> -> memref<1664x32xf32, #tpu.memory_space<vmem>>
    %dma_start3A_38 = arith.constant 0 : i32
    %dma_start3A_39 = tpu.memref_slice %arg5[%dma_start3A_32, %dma_start3A_38] : memref<2x1664xi32, #tpu.memory_space<vmem>> -> memref<1x1664xi32, #tpu.memory_space<vmem>>
    %dma_start3A_40 = tpu.memref_squeeze %dma_start3A_39 : memref<1x1664xi32, #tpu.memory_space<vmem>> -> memref<1664xi32, #tpu.memory_space<vmem>>
    %dma_start3A_41 = arith.constant 0 : i32
    %dma_start3A_42 = arith.constant 0 : i32
    %dma_start3A_43 = tpu.memref_slice %arg3[%dma_start3A_41, %dma_start3A_42] : memref<4000000x32xf32, #tpu.memory_space<hbm>> -> memref<4000000x32xf32, #tpu.memory_space<hbm>>
    tpu.enqueue_indirect_dma source(%dma_start3A_43 : memref<4000000x32xf32, #tpu.memory_space<hbm>>) target(%dma_start3A_37 : memref<1664x32xf32, #tpu.memory_space<vmem>>) offsets(%dma_start3A_40 : memref<1664xi32, #tpu.memory_space<vmem>>) semaphore(%arg9 : memref<!tpu.dma_semaphore, #tpu.memory_space<semaphore_mem>>)
    %dma_wait3A_44 = arith.constant 1 : i32
    %dma_wait3A_45 = arith.constant 0 : i32
    %dma_wait3A_46 = tpu.memref_slice %arg5[%dma_wait3A_44, %dma_wait3A_45] : memref<2x1664xi32, #tpu.memory_space<vmem>> -> memref<1x1664xi32, #tpu.memory_space<vmem>>
    %dma_wait3A_47 = tpu.memref_squeeze %dma_wait3A_46 : memref<1x1664xi32, #tpu.memory_space<vmem>> -> memref<1664xi32, #tpu.memory_space<vmem>>
    %dma_wait3A_48 = tpu.memref_slice %arg2[%add3A_14] : memref<425984xi32, #tpu.memory_space<hbm>> -> memref<1664xi32, #tpu.memory_space<hbm>>
    %dma_wait3A_49 = arith.constant 0 : i32
    %dma_wait3A_50 = tpu.memref_slice %arg5[%dma_wait3A_44, %dma_wait3A_49] : memref<2x1664xi32, #tpu.memory_space<vmem>> -> memref<1x1664xi32, #tpu.memory_space<vmem>>
    %dma_wait3A_51 = tpu.memref_squeeze %dma_wait3A_50 : memref<1x1664xi32, #tpu.memory_space<vmem>> -> memref<1664xi32, #tpu.memory_space<vmem>>
    %dma_wait3A_52 = tpu.memref_slice %arg2[%add3A_14] : memref<425984xi32, #tpu.memory_space<hbm>> -> memref<1664xi32, #tpu.memory_space<hbm>>
    tpu.wait_dma2 semaphore(%arg8 : memref<!tpu.dma_semaphore, #tpu.memory_space<semaphore_mem>>) src(%dma_wait3A_52 : memref<1664xi32, #tpu.memory_space<hbm>>) dst(%dma_wait3A_51 : memref<1664xi32, #tpu.memory_space<vmem>>)
    %dma_start3A_53 = arith.constant 1 : i32
    %dma_start3A_54 = arith.constant 1 : i32
    %dma_start3A_55 = arith.constant 0 : i32
    %dma_start3A_56 = arith.constant 0 : i32
    %dma_start3A_57 = tpu.memref_slice %arg6[%dma_start3A_54, %dma_start3A_55, %dma_start3A_56] : memref<2x1664x32xf32, #tpu.memory_space<vmem>> -> memref<1x1664x32xf32, #tpu.memory_space<vmem>>
    %dma_start3A_58 = tpu.memref_squeeze %dma_start3A_57 : memref<1x1664x32xf32, #tpu.memory_space<vmem>> -> memref<1664x32xf32, #tpu.memory_space<vmem>>
    %dma_start3A_59 = arith.constant 0 : i32
    %dma_start3A_60 = tpu.memref_slice %arg5[%dma_start3A_53, %dma_start3A_59] : memref<2x1664xi32, #tpu.memory_space<vmem>> -> memref<1x1664xi32, #tpu.memory_space<vmem>>
    %dma_start3A_61 = tpu.memref_squeeze %dma_start3A_60 : memref<1x1664xi32, #tpu.memory_space<vmem>> -> memref<1664xi32, #tpu.memory_space<vmem>>
    %dma_start3A_62 = arith.constant 0 : i32
    %dma_start3A_63 = arith.constant 0 : i32
    %dma_start3A_64 = tpu.memref_slice %arg3[%dma_start3A_62, %dma_start3A_63] : memref<4000000x32xf32, #tpu.memory_space<hbm>> -> memref<4000000x32xf32, #tpu.memory_space<hbm>>
    tpu.enqueue_indirect_dma source(%dma_start3A_64 : memref<4000000x32xf32, #tpu.memory_space<hbm>>) target(%dma_start3A_58 : memref<1664x32xf32, #tpu.memory_space<vmem>>) offsets(%dma_start3A_61 : memref<1664xi32, #tpu.memory_space<vmem>>) semaphore(%arg10 : memref<!tpu.dma_semaphore, #tpu.memory_space<semaphore_mem>>)
    %dma_wait3A_65 = arith.constant 0 : i32
    %dma_wait3A_66 = arith.constant 0 : i32
    %dma_wait3A_67 = arith.constant 0 : i32
    %dma_wait3A_68 = arith.constant 0 : i32
    %dma_wait3A_69 = tpu.memref_slice %arg6[%dma_wait3A_66, %dma_wait3A_67, %dma_wait3A_68] : memref<2x1664x32xf32, #tpu.memory_space<vmem>> -> memref<1x1664x32xf32, #tpu.memory_space<vmem>>
    %dma_wait3A_70 = tpu.memref_squeeze %dma_wait3A_69 : memref<1x1664x32xf32, #tpu.memory_space<vmem>> -> memref<1664x32xf32, #tpu.memory_space<vmem>>
    %dma_wait3A_71 = arith.constant 0 : i32
    %dma_wait3A_72 = tpu.memref_slice %arg5[%dma_wait3A_65, %dma_wait3A_71] : memref<2x1664xi32, #tpu.memory_space<vmem>> -> memref<1x1664xi32, #tpu.memory_space<vmem>>
    %dma_wait3A_73 = tpu.memref_squeeze %dma_wait3A_72 : memref<1x1664xi32, #tpu.memory_space<vmem>> -> memref<1664xi32, #tpu.memory_space<vmem>>
    %dma_wait3A_74 = arith.constant 0 : i32
    %dma_wait3A_75 = arith.constant 0 : i32
    %dma_wait3A_76 = tpu.memref_slice %arg3[%dma_wait3A_74, %dma_wait3A_75] : memref<4000000x32xf32, #tpu.memory_space<hbm>> -> memref<4000000x32xf32, #tpu.memory_space<hbm>>
    tpu.wait_indirect_dma semaphore(%arg9 : memref<!tpu.dma_semaphore, #tpu.memory_space<semaphore_mem>>) src(%dma_wait3A_76 : memref<4000000x32xf32, #tpu.memory_space<hbm>>) dst(%dma_wait3A_70 : memref<1664x32xf32, #tpu.memory_space<vmem>>)
    %add3A_77 = arith.constant 0 : i32
    %add3A_78 = arith.addi %mul3A_2, %add3A_77 : i32
    %dma_start3A_79 = arith.constant 0 : i32
    %dma_start3A_80 = arith.constant 0 : i32
    %dma_start3A_81 = arith.constant 0 : i32
    %dma_start3A_82 = tpu.memref_slice %arg6[%dma_start3A_79, %dma_start3A_80, %dma_start3A_81] : memref<2x1664x32xf32, #tpu.memory_space<vmem>> -> memref<1x1664x32xf32, #tpu.memory_space<vmem>>
    %dma_start3A_83 = tpu.memref_squeeze %dma_start3A_82 : memref<1x1664x32xf32, #tpu.memory_space<vmem>> -> memref<1664x32xf32, #tpu.memory_space<vmem>>
    %dma_start3A_84 = arith.constant 0 : i32
    %dma_start3A_85 = tpu.memref_slice %arg4[%add3A_78, %dma_start3A_84] : memref<425984x32xf32, #tpu.memory_space<hbm>> -> memref<1664x32xf32, #tpu.memory_space<hbm>>
    %dma_start3A_86 = arith.constant 0 : i32
    %dma_start3A_87 = tpu.memref_slice %arg4[%add3A_78, %dma_start3A_86] : memref<425984x32xf32, #tpu.memory_space<hbm>> -> memref<1664x32xf32, #tpu.memory_space<hbm>>
    %dma_start3A_88 = arith.constant 0 : i32
    %dma_start3A_89 = arith.constant 0 : i32
    %dma_start3A_90 = tpu.memref_slice %arg6[%dma_start3A_79, %dma_start3A_88, %dma_start3A_89] : memref<2x1664x32xf32, #tpu.memory_space<vmem>> -> memref<1x1664x32xf32, #tpu.memory_space<vmem>>
    %dma_start3A_91 = tpu.memref_squeeze %dma_start3A_90 : memref<1x1664x32xf32, #tpu.memory_space<vmem>> -> memref<1664x32xf32, #tpu.memory_space<vmem>>
    tpu.enqueue_dma source(%dma_start3A_91 : memref<1664x32xf32, #tpu.memory_space<vmem>>) target(%dma_start3A_87 : memref<1664x32xf32, #tpu.memory_space<hbm>>) target_semaphore(%arg11 : memref<!tpu.dma_semaphore, #tpu.memory_space<semaphore_mem>>)
    %add3A_92 = arith.constant 3328 : i32
    %add3A_93 = arith.addi %mul3A_2, %add3A_92 : i32
    %dma_start3A_94 = arith.constant 0 : i32
    %dma_start3A_95 = arith.constant 0 : i32
    %dma_start3A_96 = tpu.memref_slice %arg5[%dma_start3A_94, %dma_start3A_95] : memref<2x1664xi32, #tpu.memory_space<vmem>> -> memref<1x1664xi32, #tpu.memory_space<vmem>>
    %dma_start3A_97 = tpu.memref_squeeze %dma_start3A_96 : memref<1x1664xi32, #tpu.memory_space<vmem>> -> memref<1664xi32, #tpu.memory_space<vmem>>
    %dma_start3A_98 = tpu.memref_slice %arg2[%add3A_93] : memref<425984xi32, #tpu.memory_space<hbm>> -> memref<1664xi32, #tpu.memory_space<hbm>>
    %dma_start3A_99 = arith.constant 0 : i32
    %dma_start3A_100 = tpu.memref_slice %arg5[%dma_start3A_94, %dma_start3A_99] : memref<2x1664xi32, #tpu.memory_space<vmem>> -> memref<1x1664xi32, #tpu.memory_space<vmem>>
    %dma_start3A_101 = tpu.memref_squeeze %dma_start3A_100 : memref<1x1664xi32, #tpu.memory_space<vmem>> -> memref<1664xi32, #tpu.memory_space<vmem>>
    %dma_start3A_102 = tpu.memref_slice %arg2[%add3A_93] : memref<425984xi32, #tpu.memory_space<hbm>> -> memref<1664xi32, #tpu.memory_space<hbm>>
    tpu.enqueue_dma source(%dma_start3A_102 : memref<1664xi32, #tpu.memory_space<hbm>>) target(%dma_start3A_101 : memref<1664xi32, #tpu.memory_space<vmem>>) target_semaphore(%arg7 : memref<!tpu.dma_semaphore, #tpu.memory_space<semaphore_mem>>)
    %dma_wait3A_103 = arith.constant 0 : i32
    %dma_wait3A_104 = arith.constant 0 : i32
    %dma_wait3A_105 = tpu.memref_slice %arg5[%dma_wait3A_103, %dma_wait3A_104] : memref<2x1664xi32, #tpu.memory_space<vmem>> -> memref<1x1664xi32, #tpu.memory_space<vmem>>
    %dma_wait3A_106 = tpu.memref_squeeze %dma_wait3A_105 : memref<1x1664xi32, #tpu.memory_space<vmem>> -> memref<1664xi32, #tpu.memory_space<vmem>>
    %dma_wait3A_107 = tpu.memref_slice %arg2[%add3A_93] : memref<425984xi32, #tpu.memory_space<hbm>> -> memref<1664xi32, #tpu.memory_space<hbm>>
    %dma_wait3A_108 = arith.constant 0 : i32
    %dma_wait3A_109 = tpu.memref_slice %arg5[%dma_wait3A_103, %dma_wait3A_108] : memref<2x1664xi32, #tpu.memory_space<vmem>> -> memref<1x1664xi32, #tpu.memory_space<vmem>>
    %dma_wait3A_110 = tpu.memref_squeeze %dma_wait3A_109 : memref<1x1664xi32, #tpu.memory_space<vmem>> -> memref<1664xi32, #tpu.memory_space<vmem>>
    %dma_wait3A_111 = tpu.memref_slice %arg2[%add3A_93] : memref<425984xi32, #tpu.memory_space<hbm>> -> memref<1664xi32, #tpu.memory_space<hbm>>
    tpu.wait_dma2 semaphore(%arg7 : memref<!tpu.dma_semaphore, #tpu.memory_space<semaphore_mem>>) src(%dma_wait3A_111 : memref<1664xi32, #tpu.memory_space<hbm>>) dst(%dma_wait3A_110 : memref<1664xi32, #tpu.memory_space<vmem>>)
    %dma_wait3A_112 = arith.constant 0 : i32
    %dma_wait3A_113 = arith.constant 0 : i32
    %dma_wait3A_114 = arith.constant 0 : i32
    %dma_wait3A_115 = tpu.memref_slice %arg6[%dma_wait3A_112, %dma_wait3A_113, %dma_wait3A_114] : memref<2x1664x32xf32, #tpu.memory_space<vmem>> -> memref<1x1664x32xf32, #tpu.memory_space<vmem>>
    %dma_wait3A_116 = tpu.memref_squeeze %dma_wait3A_115 : memref<1x1664x32xf32, #tpu.memory_space<vmem>> -> memref<1664x32xf32, #tpu.memory_space<vmem>>
    %dma_wait3A_117 = arith.constant 0 : i32
    %dma_wait3A_118 = tpu.memref_slice %arg4[%add3A_78, %dma_wait3A_117] : memref<425984x32xf32, #tpu.memory_space<hbm>> -> memref<1664x32xf32, #tpu.memory_space<hbm>>
    %dma_wait3A_119 = arith.constant 0 : i32
    %dma_wait3A_120 = tpu.memref_slice %arg4[%add3A_78, %dma_wait3A_119] : memref<425984x32xf32, #tpu.memory_space<hbm>> -> memref<1664x32xf32, #tpu.memory_space<hbm>>
    %dma_wait3A_121 = arith.constant 0 : i32
    %dma_wait3A_122 = arith.constant 0 : i32
    %dma_wait3A_123 = tpu.memref_slice %arg6[%dma_wait3A_112, %dma_wait3A_121, %dma_wait3A_122] : memref<2x1664x32xf32, #tpu.memory_space<vmem>> -> memref<1x1664x32xf32, #tpu.memory_space<vmem>>
    %dma_wait3A_124 = tpu.memref_squeeze %dma_wait3A_123 : memref<1x1664x32xf32, #tpu.memory_space<vmem>> -> memref<1664x32xf32, #tpu.memory_space<vmem>>
    tpu.wait_dma2 semaphore(%arg11 : memref<!tpu.dma_semaphore, #tpu.memory_space<semaphore_mem>>) src(%dma_wait3A_124 : memref<1664x32xf32, #tpu.memory_space<vmem>>) dst(%dma_wait3A_120 : memref<1664x32xf32, #tpu.memory_space<hbm>>)
    %dma_start3A_125 = arith.constant 0 : i32
    %dma_start3A_126 = arith.constant 0 : i32
    %dma_start3A_127 = arith.constant 0 : i32
    %dma_start3A_128 = arith.constant 0 : i32
    %dma_start3A_129 = tpu.memref_slice %arg6[%dma_start3A_126, %dma_start3A_127, %dma_start3A_128] : memref<2x1664x32xf32, #tpu.memory_space<vmem>> -> memref<1x1664x32xf32, #tpu.memory_space<vmem>>
    %dma_start3A_130 = tpu.memref_squeeze %dma_start3A_129 : memref<1x1664x32xf32, #tpu.memory_space<vmem>> -> memref<1664x32xf32, #tpu.memory_space<vmem>>
    %dma_start3A_131 = arith.constant 0 : i32
    %dma_start3A_132 = tpu.memref_slice %arg5[%dma_start3A_125, %dma_start3A_131] : memref<2x1664xi32, #tpu.memory_space<vmem>> -> memref<1x1664xi32, #tpu.memory_space<vmem>>
    %dma_start3A_133 = tpu.memref_squeeze %dma_start3A_132 : memref<1x1664xi32, #tpu.memory_space<vmem>> -> memref<1664xi32, #tpu.memory_space<vmem>>
    %dma_start3A_134 = arith.constant 0 : i32
    %dma_start3A_135 = arith.constant 0 : i32
    %dma_start3A_136 = tpu.memref_slice %arg3[%dma_start3A_134, %dma_start3A_135] : memref<4000000x32xf32, #tpu.memory_space<hbm>> -> memref<4000000x32xf32, #tpu.memory_space<hbm>>
    tpu.enqueue_indirect_dma source(%dma_start3A_136 : memref<4000000x32xf32, #tpu.memory_space<hbm>>) target(%dma_start3A_130 : memref<1664x32xf32, #tpu.memory_space<vmem>>) offsets(%dma_start3A_133 : memref<1664xi32, #tpu.memory_space<vmem>>) semaphore(%arg9 : memref<!tpu.dma_semaphore, #tpu.memory_space<semaphore_mem>>)
    %dma_wait3A_137 = arith.constant 1 : i32
    %dma_wait3A_138 = arith.constant 1 : i32
    %dma_wait3A_139 = arith.constant 0 : i32
    %dma_wait3A_140 = arith.constant 0 : i32
    %dma_wait3A_141 = tpu.memref_slice %arg6[%dma_wait3A_138, %dma_wait3A_139, %dma_wait3A_140] : memref<2x1664x32xf32, #tpu.memory_space<vmem>> -> memref<1x1664x32xf32, #tpu.memory_space<vmem>>
    %dma_wait3A_142 = tpu.memref_squeeze %dma_wait3A_141 : memref<1x1664x32xf32, #tpu.memory_space<vmem>> -> memref<1664x32xf32, #tpu.memory_space<vmem>>
    %dma_wait3A_143 = arith.constant 0 : i32
    %dma_wait3A_144 = tpu.memref_slice %arg5[%dma_wait3A_137, %dma_wait3A_143] : memref<2x1664xi32, #tpu.memory_space<vmem>> -> memref<1x1664xi32, #tpu.memory_space<vmem>>
    %dma_wait3A_145 = tpu.memref_squeeze %dma_wait3A_144 : memref<1x1664xi32, #tpu.memory_space<vmem>> -> memref<1664xi32, #tpu.memory_space<vmem>>
    %dma_wait3A_146 = arith.constant 0 : i32
    %dma_wait3A_147 = arith.constant 0 : i32
    %dma_wait3A_148 = tpu.memref_slice %arg3[%dma_wait3A_146, %dma_wait3A_147] : memref<4000000x32xf32, #tpu.memory_space<hbm>> -> memref<4000000x32xf32, #tpu.memory_space<hbm>>
    tpu.wait_indirect_dma semaphore(%arg10 : memref<!tpu.dma_semaphore, #tpu.memory_space<semaphore_mem>>) src(%dma_wait3A_148 : memref<4000000x32xf32, #tpu.memory_space<hbm>>) dst(%dma_wait3A_142 : memref<1664x32xf32, #tpu.memory_space<vmem>>)
    %add3A_149 = arith.constant 1664 : i32
    %add3A_150 = arith.addi %mul3A_2, %add3A_149 : i32
    %dma_start3A_151 = arith.constant 1 : i32
    %dma_start3A_152 = arith.constant 0 : i32
    %dma_start3A_153 = arith.constant 0 : i32
    %dma_start3A_154 = tpu.memref_slice %arg6[%dma_start3A_151, %dma_start3A_152, %dma_start3A_153] : memref<2x1664x32xf32, #tpu.memory_space<vmem>> -> memref<1x1664x32xf32, #tpu.memory_space<vmem>>
    %dma_start3A_155 = tpu.memref_squeeze %dma_start3A_154 : memref<1x1664x32xf32, #tpu.memory_space<vmem>> -> memref<1664x32xf32, #tpu.memory_space<vmem>>
    %dma_start3A_156 = arith.constant 0 : i32
    %dma_start3A_157 = tpu.memref_slice %arg4[%add3A_150, %dma_start3A_156] : memref<425984x32xf32, #tpu.memory_space<hbm>> -> memref<1664x32xf32, #tpu.memory_space<hbm>>
    %dma_start3A_158 = arith.constant 0 : i32
    %dma_start3A_159 = tpu.memref_slice %arg4[%add3A_150, %dma_start3A_158] : memref<425984x32xf32, #tpu.memory_space<hbm>> -> memref<1664x32xf32, #tpu.memory_space<hbm>>
    %dma_start3A_160 = arith.constant 0 : i32
    %dma_start3A_161 = arith.constant 0 : i32
    %dma_start3A_162 = tpu.memref_slice %arg6[%dma_start3A_151, %dma_start3A_160, %dma_start3A_161] : memref<2x1664x32xf32, #tpu.memory_space<vmem>> -> memref<1x1664x32xf32, #tpu.memory_space<vmem>>
    %dma_start3A_163 = tpu.memref_squeeze %dma_start3A_162 : memref<1x1664x32xf32, #tpu.memory_space<vmem>> -> memref<1664x32xf32, #tpu.memory_space<vmem>>
    tpu.enqueue_dma source(%dma_start3A_163 : memref<1664x32xf32, #tpu.memory_space<vmem>>) target(%dma_start3A_159 : memref<1664x32xf32, #tpu.memory_space<hbm>>) target_semaphore(%arg12 : memref<!tpu.dma_semaphore, #tpu.memory_space<semaphore_mem>>)
    %add3A_164 = arith.constant 4992 : i32
    %add3A_165 = arith.addi %mul3A_2, %add3A_164 : i32
    %dma_start3A_166 = arith.constant 1 : i32
    %dma_start3A_167 = arith.constant 0 : i32
    %dma_start3A_168 = tpu.memref_slice %arg5[%dma_start3A_166, %dma_start3A_167] : memref<2x1664xi32, #tpu.memory_space<vmem>> -> memref<1x1664xi32, #tpu.memory_space<vmem>>
    %dma_start3A_169 = tpu.memref_squeeze %dma_start3A_168 : memref<1x1664xi32, #tpu.memory_space<vmem>> -> memref<1664xi32, #tpu.memory_space<vmem>>
    %dma_start3A_170 = tpu.memref_slice %arg2[%add3A_165] : memref<425984xi32, #tpu.memory_space<hbm>> -> memref<1664xi32, #tpu.memory_space<hbm>>
    %dma_start3A_171 = arith.constant 0 : i32
    %dma_start3A_172 = tpu.memref_slice %arg5[%dma_start3A_166, %dma_start3A_171] : memref<2x1664xi32, #tpu.memory_space<vmem>> -> memref<1x1664xi32, #tpu.memory_space<vmem>>
    %dma_start3A_173 = tpu.memref_squeeze %dma_start3A_172 : memref<1x1664xi32, #tpu.memory_space<vmem>> -> memref<1664xi32, #tpu.memory_space<vmem>>
    %dma_start3A_174 = tpu.memref_slice %arg2[%add3A_165] : memref<425984xi32, #tpu.memory_space<hbm>> -> memref<1664xi32, #tpu.memory_space<hbm>>
    tpu.enqueue_dma source(%dma_start3A_174 : memref<1664xi32, #tpu.memory_space<hbm>>) target(%dma_start3A_173 : memref<1664xi32, #tpu.memory_space<vmem>>) target_semaphore(%arg8 : memref<!tpu.dma_semaphore, #tpu.memory_space<semaphore_mem>>)
    %dma_wait3A_175 = arith.constant 1 : i32
    %dma_wait3A_176 = arith.constant 0 : i32
    %dma_wait3A_177 = tpu.memref_slice %arg5[%dma_wait3A_175, %dma_wait3A_176] : memref<2x1664xi32, #tpu.memory_space<vmem>> -> memref<1x1664xi32, #tpu.memory_space<vmem>>
    %dma_wait3A_178 = tpu.memref_squeeze %dma_wait3A_177 : memref<1x1664xi32, #tpu.memory_space<vmem>> -> memref<1664xi32, #tpu.memory_space<vmem>>
    %dma_wait3A_179 = tpu.memref_slice %arg2[%add3A_165] : memref<425984xi32, #tpu.memory_space<hbm>> -> memref<1664xi32, #tpu.memory_space<hbm>>
    %dma_wait3A_180 = arith.constant 0 : i32
    %dma_wait3A_181 = tpu.memref_slice %arg5[%dma_wait3A_175, %dma_wait3A_180] : memref<2x1664xi32, #tpu.memory_space<vmem>> -> memref<1x1664xi32, #tpu.memory_space<vmem>>
    %dma_wait3A_182 = tpu.memref_squeeze %dma_wait3A_181 : memref<1x1664xi32, #tpu.memory_space<vmem>> -> memref<1664xi32, #tpu.memory_space<vmem>>
    %dma_wait3A_183 = tpu.memref_slice %arg2[%add3A_165] : memref<425984xi32, #tpu.memory_space<hbm>> -> memref<1664xi32, #tpu.memory_space<hbm>>
    tpu.wait_dma2 semaphore(%arg8 : memref<!tpu.dma_semaphore, #tpu.memory_space<semaphore_mem>>) src(%dma_wait3A_183 : memref<1664xi32, #tpu.memory_space<hbm>>) dst(%dma_wait3A_182 : memref<1664xi32, #tpu.memory_space<vmem>>)
    %dma_wait3A_184 = arith.constant 1 : i32
    %dma_wait3A_185 = arith.constant 0 : i32
    %dma_wait3A_186 = arith.constant 0 : i32
    %dma_wait3A_187 = tpu.memref_slice %arg6[%dma_wait3A_184, %dma_wait3A_185, %dma_wait3A_186] : memref<2x1664x32xf32, #tpu.memory_space<vmem>> -> memref<1x1664x32xf32, #tpu.memory_space<vmem>>
    %dma_wait3A_188 = tpu.memref_squeeze %dma_wait3A_187 : memref<1x1664x32xf32, #tpu.memory_space<vmem>> -> memref<1664x32xf32, #tpu.memory_space<vmem>>
    %dma_wait3A_189 = arith.constant 0 : i32
    %dma_wait3A_190 = tpu.memref_slice %arg4[%add3A_150, %dma_wait3A_189] : memref<425984x32xf32, #tpu.memory_space<hbm>> -> memref<1664x32xf32, #tpu.memory_space<hbm>>
    %dma_wait3A_191 = arith.constant 0 : i32
    %dma_wait3A_192 = tpu.memref_slice %arg4[%add3A_150, %dma_wait3A_191] : memref<425984x32xf32, #tpu.memory_space<hbm>> -> memref<1664x32xf32, #tpu.memory_space<hbm>>
    %dma_wait3A_193 = arith.constant 0 : i32
    %dma_wait3A_194 = arith.constant 0 : i32
    %dma_wait3A_195 = tpu.memref_slice %arg6[%dma_wait3A_184, %dma_wait3A_193, %dma_wait3A_194] : memref<2x1664x32xf32, #tpu.memory_space<vmem>> -> memref<1x1664x32xf32, #tpu.memory_space<vmem>>
    %dma_wait3A_196 = tpu.memref_squeeze %dma_wait3A_195 : memref<1x1664x32xf32, #tpu.memory_space<vmem>> -> memref<1664x32xf32, #tpu.memory_space<vmem>>
    tpu.wait_dma2 semaphore(%arg12 : memref<!tpu.dma_semaphore, #tpu.memory_space<semaphore_mem>>) src(%dma_wait3A_196 : memref<1664x32xf32, #tpu.memory_space<vmem>>) dst(%dma_wait3A_192 : memref<1664x32xf32, #tpu.memory_space<hbm>>)
    %dma_start3A_197 = arith.constant 1 : i32
    %dma_start3A_198 = arith.constant 1 : i32
    %dma_start3A_199 = arith.constant 0 : i32
    %dma_start3A_200 = arith.constant 0 : i32
    %dma_start3A_201 = tpu.memref_slice %arg6[%dma_start3A_198, %dma_start3A_199, %dma_start3A_200] : memref<2x1664x32xf32, #tpu.memory_space<vmem>> -> memref<1x1664x32xf32, #tpu.memory_space<vmem>>
    %dma_start3A_202 = tpu.memref_squeeze %dma_start3A_201 : memref<1x1664x32xf32, #tpu.memory_space<vmem>> -> memref<1664x32xf32, #tpu.memory_space<vmem>>
    %dma_start3A_203 = arith.constant 0 : i32
    %dma_start3A_204 = tpu.memref_slice %arg5[%dma_start3A_197, %dma_start3A_203] : memref<2x1664xi32, #tpu.memory_space<vmem>> -> memref<1x1664xi32, #tpu.memory_space<vmem>>
    %dma_start3A_205 = tpu.memref_squeeze %dma_start3A_204 : memref<1x1664xi32, #tpu.memory_space<vmem>> -> memref<1664xi32, #tpu.memory_space<vmem>>
    %dma_start3A_206 = arith.constant 0 : i32
    %dma_start3A_207 = arith.constant 0 : i32
    %dma_start3A_208 = tpu.memref_slice %arg3[%dma_start3A_206, %dma_start3A_207] : memref<4000000x32xf32, #tpu.memory_space<hbm>> -> memref<4000000x32xf32, #tpu.memory_space<hbm>>
    tpu.enqueue_indirect_dma source(%dma_start3A_208 : memref<4000000x32xf32, #tpu.memory_space<hbm>>) target(%dma_start3A_202 : memref<1664x32xf32, #tpu.memory_space<vmem>>) offsets(%dma_start3A_205 : memref<1664xi32, #tpu.memory_space<vmem>>) semaphore(%arg10 : memref<!tpu.dma_semaphore, #tpu.memory_space<semaphore_mem>>)
    %dma_wait3A_209 = arith.constant 0 : i32
    %dma_wait3A_210 = arith.constant 0 : i32
    %dma_wait3A_211 = arith.constant 0 : i32
    %dma_wait3A_212 = arith.constant 0 : i32
    %dma_wait3A_213 = tpu.memref_slice %arg6[%dma_wait3A_210, %dma_wait3A_211, %dma_wait3A_212] : memref<2x1664x32xf32, #tpu.memory_space<vmem>> -> memref<1x1664x32xf32, #tpu.memory_space<vmem>>
    %dma_wait3A_214 = tpu.memref_squeeze %dma_wait3A_213 : memref<1x1664x32xf32, #tpu.memory_space<vmem>> -> memref<1664x32xf32, #tpu.memory_space<vmem>>
    %dma_wait3A_215 = arith.constant 0 : i32
    %dma_wait3A_216 = tpu.memref_slice %arg5[%dma_wait3A_209, %dma_wait3A_215] : memref<2x1664xi32, #tpu.memory_space<vmem>> -> memref<1x1664xi32, #tpu.memory_space<vmem>>
    %dma_wait3A_217 = tpu.memref_squeeze %dma_wait3A_216 : memref<1x1664xi32, #tpu.memory_space<vmem>> -> memref<1664xi32, #tpu.memory_space<vmem>>
    %dma_wait3A_218 = arith.constant 0 : i32
    %dma_wait3A_219 = arith.constant 0 : i32
    %dma_wait3A_220 = tpu.memref_slice %arg3[%dma_wait3A_218, %dma_wait3A_219] : memref<4000000x32xf32, #tpu.memory_space<hbm>> -> memref<4000000x32xf32, #tpu.memory_space<hbm>>
    tpu.wait_indirect_dma semaphore(%arg9 : memref<!tpu.dma_semaphore, #tpu.memory_space<semaphore_mem>>) src(%dma_wait3A_220 : memref<4000000x32xf32, #tpu.memory_space<hbm>>) dst(%dma_wait3A_214 : memref<1664x32xf32, #tpu.memory_space<vmem>>)
    %add3A_221 = arith.constant 3328 : i32
    %add3A_222 = arith.addi %mul3A_2, %add3A_221 : i32
    %dma_start3A_223 = arith.constant 0 : i32
    %dma_start3A_224 = arith.constant 0 : i32
    %dma_start3A_225 = arith.constant 0 : i32
    %dma_start3A_226 = tpu.memref_slice %arg6[%dma_start3A_223, %dma_start3A_224, %dma_start3A_225] : memref<2x1664x32xf32, #tpu.memory_space<vmem>> -> memref<1x1664x32xf32, #tpu.memory_space<vmem>>
    %dma_start3A_227 = tpu.memref_squeeze %dma_start3A_226 : memref<1x1664x32xf32, #tpu.memory_space<vmem>> -> memref<1664x32xf32, #tpu.memory_space<vmem>>
    %dma_start3A_228 = arith.constant 0 : i32
    %dma_start3A_229 = tpu.memref_slice %arg4[%add3A_222, %dma_start3A_228] : memref<425984x32xf32, #tpu.memory_space<hbm>> -> memref<1664x32xf32, #tpu.memory_space<hbm>>
    %dma_start3A_230 = arith.constant 0 : i32
    %dma_start3A_231 = tpu.memref_slice %arg4[%add3A_222, %dma_start3A_230] : memref<425984x32xf32, #tpu.memory_space<hbm>> -> memref<1664x32xf32, #tpu.memory_space<hbm>>
    %dma_start3A_232 = arith.constant 0 : i32
    %dma_start3A_233 = arith.constant 0 : i32
    %dma_start3A_234 = tpu.memref_slice %arg6[%dma_start3A_223, %dma_start3A_232, %dma_start3A_233] : memref<2x1664x32xf32, #tpu.memory_space<vmem>> -> memref<1x1664x32xf32, #tpu.memory_space<vmem>>
    %dma_start3A_235 = tpu.memref_squeeze %dma_start3A_234 : memref<1x1664x32xf32, #tpu.memory_space<vmem>> -> memref<1664x32xf32, #tpu.memory_space<vmem>>
    tpu.enqueue_dma source(%dma_start3A_235 : memref<1664x32xf32, #tpu.memory_space<vmem>>) target(%dma_start3A_231 : memref<1664x32xf32, #tpu.memory_space<hbm>>) target_semaphore(%arg11 : memref<!tpu.dma_semaphore, #tpu.memory_space<semaphore_mem>>)
    %add3A_236 = arith.constant 6656 : i32
    %add3A_237 = arith.addi %mul3A_2, %add3A_236 : i32
    %dma_start3A_238 = arith.constant 0 : i32
    %dma_start3A_239 = arith.constant 0 : i32
    %dma_start3A_240 = tpu.memref_slice %arg5[%dma_start3A_238, %dma_start3A_239] : memref<2x1664xi32, #tpu.memory_space<vmem>> -> memref<1x1664xi32, #tpu.memory_space<vmem>>
    %dma_start3A_241 = tpu.memref_squeeze %dma_start3A_240 : memref<1x1664xi32, #tpu.memory_space<vmem>> -> memref<1664xi32, #tpu.memory_space<vmem>>
    %dma_start3A_242 = tpu.memref_slice %arg2[%add3A_237] : memref<425984xi32, #tpu.memory_space<hbm>> -> memref<1664xi32, #tpu.memory_space<hbm>>
    %dma_start3A_243 = arith.constant 0 : i32
    %dma_start3A_244 = tpu.memref_slice %arg5[%dma_start3A_238, %dma_start3A_243] : memref<2x1664xi32, #tpu.memory_space<vmem>> -> memref<1x1664xi32, #tpu.memory_space<vmem>>
    %dma_start3A_245 = tpu.memref_squeeze %dma_start3A_244 : memref<1x1664xi32, #tpu.memory_space<vmem>> -> memref<1664xi32, #tpu.memory_space<vmem>>
    %dma_start3A_246 = tpu.memref_slice %arg2[%add3A_237] : memref<425984xi32, #tpu.memory_space<hbm>> -> memref<1664xi32, #tpu.memory_space<hbm>>
    tpu.enqueue_dma source(%dma_start3A_246 : memref<1664xi32, #tpu.memory_space<hbm>>) target(%dma_start3A_245 : memref<1664xi32, #tpu.memory_space<vmem>>) target_semaphore(%arg7 : memref<!tpu.dma_semaphore, #tpu.memory_space<semaphore_mem>>)
    %dma_wait3A_247 = arith.constant 0 : i32
    %dma_wait3A_248 = arith.constant 0 : i32
    %dma_wait3A_249 = tpu.memref_slice %arg5[%dma_wait3A_247, %dma_wait3A_248] : memref<2x1664xi32, #tpu.memory_space<vmem>> -> memref<1x1664xi32, #tpu.memory_space<vmem>>
    %dma_wait3A_250 = tpu.memref_squeeze %dma_wait3A_249 : memref<1x1664xi32, #tpu.memory_space<vmem>> -> memref<1664xi32, #tpu.memory_space<vmem>>
    %dma_wait3A_251 = tpu.memref_slice %arg2[%add3A_237] : memref<425984xi32, #tpu.memory_space<hbm>> -> memref<1664xi32, #tpu.memory_space<hbm>>
    %dma_wait3A_252 = arith.constant 0 : i32
    %dma_wait3A_253 = tpu.memref_slice %arg5[%dma_wait3A_247, %dma_wait3A_252] : memref<2x1664xi32, #tpu.memory_space<vmem>> -> memref<1x1664xi32, #tpu.memory_space<vmem>>
    %dma_wait3A_254 = tpu.memref_squeeze %dma_wait3A_253 : memref<1x1664xi32, #tpu.memory_space<vmem>> -> memref<1664xi32, #tpu.memory_space<vmem>>
    %dma_wait3A_255 = tpu.memref_slice %arg2[%add3A_237] : memref<425984xi32, #tpu.memory_space<hbm>> -> memref<1664xi32, #tpu.memory_space<hbm>>
    tpu.wait_dma2 semaphore(%arg7 : memref<!tpu.dma_semaphore, #tpu.memory_space<semaphore_mem>>) src(%dma_wait3A_255 : memref<1664xi32, #tpu.memory_space<hbm>>) dst(%dma_wait3A_254 : memref<1664xi32, #tpu.memory_space<vmem>>)
    %dma_wait3A_256 = arith.constant 0 : i32
    %dma_wait3A_257 = arith.constant 0 : i32
    %dma_wait3A_258 = arith.constant 0 : i32
    %dma_wait3A_259 = tpu.memref_slice %arg6[%dma_wait3A_256, %dma_wait3A_257, %dma_wait3A_258] : memref<2x1664x32xf32, #tpu.memory_space<vmem>> -> memref<1x1664x32xf32, #tpu.memory_space<vmem>>
    %dma_wait3A_260 = tpu.memref_squeeze %dma_wait3A_259 : memref<1x1664x32xf32, #tpu.memory_space<vmem>> -> memref<1664x32xf32, #tpu.memory_space<vmem>>
    %dma_wait3A_261 = arith.constant 0 : i32
    %dma_wait3A_262 = tpu.memref_slice %arg4[%add3A_222, %dma_wait3A_261] : memref<425984x32xf32, #tpu.memory_space<hbm>> -> memref<1664x32xf32, #tpu.memory_space<hbm>>
    %dma_wait3A_263 = arith.constant 0 : i32
    %dma_wait3A_264 = tpu.memref_slice %arg4[%add3A_222, %dma_wait3A_263] : memref<425984x32xf32, #tpu.memory_space<hbm>> -> memref<1664x32xf32, #tpu.memory_space<hbm>>
    %dma_wait3A_265 = arith.constant 0 : i32
    %dma_wait3A_266 = arith.constant 0 : i32
    %dma_wait3A_267 = tpu.memref_slice %arg6[%dma_wait3A_256, %dma_wait3A_265, %dma_wait3A_266] : memref<2x1664x32xf32, #tpu.memory_space<vmem>> -> memref<1x1664x32xf32, #tpu.memory_space<vmem>>
    %dma_wait3A_268 = tpu.memref_squeeze %dma_wait3A_267 : memref<1x1664x32xf32, #tpu.memory_space<vmem>> -> memref<1664x32xf32, #tpu.memory_space<vmem>>
    tpu.wait_dma2 semaphore(%arg11 : memref<!tpu.dma_semaphore, #tpu.memory_space<semaphore_mem>>) src(%dma_wait3A_268 : memref<1664x32xf32, #tpu.memory_space<vmem>>) dst(%dma_wait3A_264 : memref<1664x32xf32, #tpu.memory_space<hbm>>)
    %dma_start3A_269 = arith.constant 0 : i32
    %dma_start3A_270 = arith.constant 0 : i32
    %dma_start3A_271 = arith.constant 0 : i32
    %dma_start3A_272 = arith.constant 0 : i32
    %dma_start3A_273 = tpu.memref_slice %arg6[%dma_start3A_270, %dma_start3A_271, %dma_start3A_272] : memref<2x1664x32xf32, #tpu.memory_space<vmem>> -> memref<1x1664x32xf32, #tpu.memory_space<vmem>>
    %dma_start3A_274 = tpu.memref_squeeze %dma_start3A_273 : memref<1x1664x32xf32, #tpu.memory_space<vmem>> -> memref<1664x32xf32, #tpu.memory_space<vmem>>
    %dma_start3A_275 = arith.constant 0 : i32
    %dma_start3A_276 = tpu.memref_slice %arg5[%dma_start3A_269, %dma_start3A_275] : memref<2x1664xi32, #tpu.memory_space<vmem>> -> memref<1x1664xi32, #tpu.memory_space<vmem>>
    %dma_start3A_277 = tpu.memref_squeeze %dma_start3A_276 : memref<1x1664xi32, #tpu.memory_space<vmem>> -> memref<1664xi32, #tpu.memory_space<vmem>>
    %dma_start3A_278 = arith.constant 0 : i32
    %dma_start3A_279 = arith.constant 0 : i32
    %dma_start3A_280 = tpu.memref_slice %arg3[%dma_start3A_278, %dma_start3A_279] : memref<4000000x32xf32, #tpu.memory_space<hbm>> -> memref<4000000x32xf32, #tpu.memory_space<hbm>>
    tpu.enqueue_indirect_dma source(%dma_start3A_280 : memref<4000000x32xf32, #tpu.memory_space<hbm>>) target(%dma_start3A_274 : memref<1664x32xf32, #tpu.memory_space<vmem>>) offsets(%dma_start3A_277 : memref<1664xi32, #tpu.memory_space<vmem>>) semaphore(%arg9 : memref<!tpu.dma_semaphore, #tpu.memory_space<semaphore_mem>>)
    %dma_wait3A_281 = arith.constant 1 : i32
    %dma_wait3A_282 = arith.constant 1 : i32
    %dma_wait3A_283 = arith.constant 0 : i32
    %dma_wait3A_284 = arith.constant 0 : i32
    %dma_wait3A_285 = tpu.memref_slice %arg6[%dma_wait3A_282, %dma_wait3A_283, %dma_wait3A_284] : memref<2x1664x32xf32, #tpu.memory_space<vmem>> -> memref<1x1664x32xf32, #tpu.memory_space<vmem>>
    %dma_wait3A_286 = tpu.memref_squeeze %dma_wait3A_285 : memref<1x1664x32xf32, #tpu.memory_space<vmem>> -> memref<1664x32xf32, #tpu.memory_space<vmem>>
    %dma_wait3A_287 = arith.constant 0 : i32
    %dma_wait3A_288 = tpu.memref_slice %arg5[%dma_wait3A_281, %dma_wait3A_287] : memref<2x1664xi32, #tpu.memory_space<vmem>> -> memref<1x1664xi32, #tpu.memory_space<vmem>>
    %dma_wait3A_289 = tpu.memref_squeeze %dma_wait3A_288 : memref<1x1664xi32, #tpu.memory_space<vmem>> -> memref<1664xi32, #tpu.memory_space<vmem>>
    %dma_wait3A_290 = arith.constant 0 : i32
    %dma_wait3A_291 = arith.constant 0 : i32
    %dma_wait3A_292 = tpu.memref_slice %arg3[%dma_wait3A_290, %dma_wait3A_291] : memref<4000000x32xf32, #tpu.memory_space<hbm>> -> memref<4000000x32xf32, #tpu.memory_space<hbm>>
    tpu.wait_indirect_dma semaphore(%arg10 : memref<!tpu.dma_semaphore, #tpu.memory_space<semaphore_mem>>) src(%dma_wait3A_292 : memref<4000000x32xf32, #tpu.memory_space<hbm>>) dst(%dma_wait3A_286 : memref<1664x32xf32, #tpu.memory_space<vmem>>)
    %add3A_293 = arith.constant 4992 : i32
    %add3A_294 = arith.addi %mul3A_2, %add3A_293 : i32
    %dma_start3A_295 = arith.constant 1 : i32
    %dma_start3A_296 = arith.constant 0 : i32
    %dma_start3A_297 = arith.constant 0 : i32
    %dma_start3A_298 = tpu.memref_slice %arg6[%dma_start3A_295, %dma_start3A_296, %dma_start3A_297] : memref<2x1664x32xf32, #tpu.memory_space<vmem>> -> memref<1x1664x32xf32, #tpu.memory_space<vmem>>
    %dma_start3A_299 = tpu.memref_squeeze %dma_start3A_298 : memref<1x1664x32xf32, #tpu.memory_space<vmem>> -> memref<1664x32xf32, #tpu.memory_space<vmem>>
    %dma_start3A_300 = arith.constant 0 : i32
    %dma_start3A_301 = tpu.memref_slice %arg4[%add3A_294, %dma_start3A_300] : memref<425984x32xf32, #tpu.memory_space<hbm>> -> memref<1664x32xf32, #tpu.memory_space<hbm>>
    %dma_start3A_302 = arith.constant 0 : i32
    %dma_start3A_303 = tpu.memref_slice %arg4[%add3A_294, %dma_start3A_302] : memref<425984x32xf32, #tpu.memory_space<hbm>> -> memref<1664x32xf32, #tpu.memory_space<hbm>>
    %dma_start3A_304 = arith.constant 0 : i32
    %dma_start3A_305 = arith.constant 0 : i32
    %dma_start3A_306 = tpu.memref_slice %arg6[%dma_start3A_295, %dma_start3A_304, %dma_start3A_305] : memref<2x1664x32xf32, #tpu.memory_space<vmem>> -> memref<1x1664x32xf32, #tpu.memory_space<vmem>>
    %dma_start3A_307 = tpu.memref_squeeze %dma_start3A_306 : memref<1x1664x32xf32, #tpu.memory_space<vmem>> -> memref<1664x32xf32, #tpu.memory_space<vmem>>
    tpu.enqueue_dma source(%dma_start3A_307 : memref<1664x32xf32, #tpu.memory_space<vmem>>) target(%dma_start3A_303 : memref<1664x32xf32, #tpu.memory_space<hbm>>) target_semaphore(%arg12 : memref<!tpu.dma_semaphore, #tpu.memory_space<semaphore_mem>>)
    %add3A_308 = arith.constant 8320 : i32
    %add3A_309 = arith.addi %mul3A_2, %add3A_308 : i32
    %dma_start3A_310 = arith.constant 1 : i32
    %dma_start3A_311 = arith.constant 0 : i32
    %dma_start3A_312 = tpu.memref_slice %arg5[%dma_start3A_310, %dma_start3A_311] : memref<2x1664xi32, #tpu.memory_space<vmem>> -> memref<1x1664xi32, #tpu.memory_space<vmem>>
    %dma_start3A_313 = tpu.memref_squeeze %dma_start3A_312 : memref<1x1664xi32, #tpu.memory_space<vmem>> -> memref<1664xi32, #tpu.memory_space<vmem>>
    %dma_start3A_314 = tpu.memref_slice %arg2[%add3A_309] : memref<425984xi32, #tpu.memory_space<hbm>> -> memref<1664xi32, #tpu.memory_space<hbm>>
    %dma_start3A_315 = arith.constant 0 : i32
    %dma_start3A_316 = tpu.memref_slice %arg5[%dma_start3A_310, %dma_start3A_315] : memref<2x1664xi32, #tpu.memory_space<vmem>> -> memref<1x1664xi32, #tpu.memory_space<vmem>>
    %dma_start3A_317 = tpu.memref_squeeze %dma_start3A_316 : memref<1x1664xi32, #tpu.memory_space<vmem>> -> memref<1664xi32, #tpu.memory_space<vmem>>
    %dma_start3A_318 = tpu.memref_slice %arg2[%add3A_309] : memref<425984xi32, #tpu.memory_space<hbm>> -> memref<1664xi32, #tpu.memory_space<hbm>>
    tpu.enqueue_dma source(%dma_start3A_318 : memref<1664xi32, #tpu.memory_space<hbm>>) target(%dma_start3A_317 : memref<1664xi32, #tpu.memory_space<vmem>>) target_semaphore(%arg8 : memref<!tpu.dma_semaphore, #tpu.memory_space<semaphore_mem>>)
    %dma_wait3A_319 = arith.constant 1 : i32
    %dma_wait3A_320 = arith.constant 0 : i32
    %dma_wait3A_321 = tpu.memref_slice %arg5[%dma_wait3A_319, %dma_wait3A_320] : memref<2x1664xi32, #tpu.memory_space<vmem>> -> memref<1x1664xi32, #tpu.memory_space<vmem>>
    %dma_wait3A_322 = tpu.memref_squeeze %dma_wait3A_321 : memref<1x1664xi32, #tpu.memory_space<vmem>> -> memref<1664xi32, #tpu.memory_space<vmem>>
    %dma_wait3A_323 = tpu.memref_slice %arg2[%add3A_309] : memref<425984xi32, #tpu.memory_space<hbm>> -> memref<1664xi32, #tpu.memory_space<hbm>>
    %dma_wait3A_324 = arith.constant 0 : i32
    %dma_wait3A_325 = tpu.memref_slice %arg5[%dma_wait3A_319, %dma_wait3A_324] : memref<2x1664xi32, #tpu.memory_space<vmem>> -> memref<1x1664xi32, #tpu.memory_space<vmem>>
    %dma_wait3A_326 = tpu.memref_squeeze %dma_wait3A_325 : memref<1x1664xi32, #tpu.memory_space<vmem>> -> memref<1664xi32, #tpu.memory_space<vmem>>
    %dma_wait3A_327 = tpu.memref_slice %arg2[%add3A_309] : memref<425984xi32, #tpu.memory_space<hbm>> -> memref<1664xi32, #tpu.memory_space<hbm>>
    tpu.wait_dma2 semaphore(%arg8 : memref<!tpu.dma_semaphore, #tpu.memory_space<semaphore_mem>>) src(%dma_wait3A_327 : memref<1664xi32, #tpu.memory_space<hbm>>) dst(%dma_wait3A_326 : memref<1664xi32, #tpu.memory_space<vmem>>)
    %dma_wait3A_328 = arith.constant 1 : i32
    %dma_wait3A_329 = arith.constant 0 : i32
    %dma_wait3A_330 = arith.constant 0 : i32
    %dma_wait3A_331 = tpu.memref_slice %arg6[%dma_wait3A_328, %dma_wait3A_329, %dma_wait3A_330] : memref<2x1664x32xf32, #tpu.memory_space<vmem>> -> memref<1x1664x32xf32, #tpu.memory_space<vmem>>
    %dma_wait3A_332 = tpu.memref_squeeze %dma_wait3A_331 : memref<1x1664x32xf32, #tpu.memory_space<vmem>> -> memref<1664x32xf32, #tpu.memory_space<vmem>>
    %dma_wait3A_333 = arith.constant 0 : i32
    %dma_wait3A_334 = tpu.memref_slice %arg4[%add3A_294, %dma_wait3A_333] : memref<425984x32xf32, #tpu.memory_space<hbm>> -> memref<1664x32xf32, #tpu.memory_space<hbm>>
    %dma_wait3A_335 = arith.constant 0 : i32
    %dma_wait3A_336 = tpu.memref_slice %arg4[%add3A_294, %dma_wait3A_335] : memref<425984x32xf32, #tpu.memory_space<hbm>> -> memref<1664x32xf32, #tpu.memory_space<hbm>>
    %dma_wait3A_337 = arith.constant 0 : i32
    %dma_wait3A_338 = arith.constant 0 : i32
    %dma_wait3A_339 = tpu.memref_slice %arg6[%dma_wait3A_328, %dma_wait3A_337, %dma_wait3A_338] : memref<2x1664x32xf32, #tpu.memory_space<vmem>> -> memref<1x1664x32xf32, #tpu.memory_space<vmem>>
    %dma_wait3A_340 = tpu.memref_squeeze %dma_wait3A_339 : memref<1x1664x32xf32, #tpu.memory_space<vmem>> -> memref<1664x32xf32, #tpu.memory_space<vmem>>
    tpu.wait_dma2 semaphore(%arg12 : memref<!tpu.dma_semaphore, #tpu.memory_space<semaphore_mem>>) src(%dma_wait3A_340 : memref<1664x32xf32, #tpu.memory_space<vmem>>) dst(%dma_wait3A_336 : memref<1664x32xf32, #tpu.memory_space<hbm>>)
    %dma_start3A_341 = arith.constant 1 : i32
    %dma_start3A_342 = arith.constant 1 : i32
    %dma_start3A_343 = arith.constant 0 : i32
    %dma_start3A_344 = arith.constant 0 : i32
    %dma_start3A_345 = tpu.memref_slice %arg6[%dma_start3A_342, %dma_start3A_343, %dma_start3A_344] : memref<2x1664x32xf32, #tpu.memory_space<vmem>> -> memref<1x1664x32xf32, #tpu.memory_space<vmem>>
    %dma_start3A_346 = tpu.memref_squeeze %dma_start3A_345 : memref<1x1664x32xf32, #tpu.memory_space<vmem>> -> memref<1664x32xf32, #tpu.memory_space<vmem>>
    %dma_start3A_347 = arith.constant 0 : i32
    %dma_start3A_348 = tpu.memref_slice %arg5[%dma_start3A_341, %dma_start3A_347] : memref<2x1664xi32, #tpu.memory_space<vmem>> -> memref<1x1664xi32, #tpu.memory_space<vmem>>
    %dma_start3A_349 = tpu.memref_squeeze %dma_start3A_348 : memref<1x1664xi32, #tpu.memory_space<vmem>> -> memref<1664xi32, #tpu.memory_space<vmem>>
    %dma_start3A_350 = arith.constant 0 : i32
    %dma_start3A_351 = arith.constant 0 : i32
    %dma_start3A_352 = tpu.memref_slice %arg3[%dma_start3A_350, %dma_start3A_351] : memref<4000000x32xf32, #tpu.memory_space<hbm>> -> memref<4000000x32xf32, #tpu.memory_space<hbm>>
    tpu.enqueue_indirect_dma source(%dma_start3A_352 : memref<4000000x32xf32, #tpu.memory_space<hbm>>) target(%dma_start3A_346 : memref<1664x32xf32, #tpu.memory_space<vmem>>) offsets(%dma_start3A_349 : memref<1664xi32, #tpu.memory_space<vmem>>) semaphore(%arg10 : memref<!tpu.dma_semaphore, #tpu.memory_space<semaphore_mem>>)
    %dma_wait3A_353 = arith.constant 0 : i32
    %dma_wait3A_354 = arith.constant 0 : i32
    %dma_wait3A_355 = arith.constant 0 : i32
    %dma_wait3A_356 = arith.constant 0 : i32
    %dma_wait3A_357 = tpu.memref_slice %arg6[%dma_wait3A_354, %dma_wait3A_355, %dma_wait3A_356] : memref<2x1664x32xf32, #tpu.memory_space<vmem>> -> memref<1x1664x32xf32, #tpu.memory_space<vmem>>
    %dma_wait3A_358 = tpu.memref_squeeze %dma_wait3A_357 : memref<1x1664x32xf32, #tpu.memory_space<vmem>> -> memref<1664x32xf32, #tpu.memory_space<vmem>>
    %dma_wait3A_359 = arith.constant 0 : i32
    %dma_wait3A_360 = tpu.memref_slice %arg5[%dma_wait3A_353, %dma_wait3A_359] : memref<2x1664xi32, #tpu.memory_space<vmem>> -> memref<1x1664xi32, #tpu.memory_space<vmem>>
    %dma_wait3A_361 = tpu.memref_squeeze %dma_wait3A_360 : memref<1x1664xi32, #tpu.memory_space<vmem>> -> memref<1664xi32, #tpu.memory_space<vmem>>
    %dma_wait3A_362 = arith.constant 0 : i32
    %dma_wait3A_363 = arith.constant 0 : i32
    %dma_wait3A_364 = tpu.memref_slice %arg3[%dma_wait3A_362, %dma_wait3A_363] : memref<4000000x32xf32, #tpu.memory_space<hbm>> -> memref<4000000x32xf32, #tpu.memory_space<hbm>>
    tpu.wait_indirect_dma semaphore(%arg9 : memref<!tpu.dma_semaphore, #tpu.memory_space<semaphore_mem>>) src(%dma_wait3A_364 : memref<4000000x32xf32, #tpu.memory_space<hbm>>) dst(%dma_wait3A_358 : memref<1664x32xf32, #tpu.memory_space<vmem>>)
    %add3A_365 = arith.constant 6656 : i32
    %add3A_366 = arith.addi %mul3A_2, %add3A_365 : i32
    %dma_start3A_367 = arith.constant 0 : i32
    %dma_start3A_368 = arith.constant 0 : i32
    %dma_start3A_369 = arith.constant 0 : i32
    %dma_start3A_370 = tpu.memref_slice %arg6[%dma_start3A_367, %dma_start3A_368, %dma_start3A_369] : memref<2x1664x32xf32, #tpu.memory_space<vmem>> -> memref<1x1664x32xf32, #tpu.memory_space<vmem>>
    %dma_start3A_371 = tpu.memref_squeeze %dma_start3A_370 : memref<1x1664x32xf32, #tpu.memory_space<vmem>> -> memref<1664x32xf32, #tpu.memory_space<vmem>>
    %dma_start3A_372 = arith.constant 0 : i32
    %dma_start3A_373 = tpu.memref_slice %arg4[%add3A_366, %dma_start3A_372] : memref<425984x32xf32, #tpu.memory_space<hbm>> -> memref<1664x32xf32, #tpu.memory_space<hbm>>
    %dma_start3A_374 = arith.constant 0 : i32
    %dma_start3A_375 = tpu.memref_slice %arg4[%add3A_366, %dma_start3A_374] : memref<425984x32xf32, #tpu.memory_space<hbm>> -> memref<1664x32xf32, #tpu.memory_space<hbm>>
    %dma_start3A_376 = arith.constant 0 : i32
    %dma_start3A_377 = arith.constant 0 : i32
    %dma_start3A_378 = tpu.memref_slice %arg6[%dma_start3A_367, %dma_start3A_376, %dma_start3A_377] : memref<2x1664x32xf32, #tpu.memory_space<vmem>> -> memref<1x1664x32xf32, #tpu.memory_space<vmem>>
    %dma_start3A_379 = tpu.memref_squeeze %dma_start3A_378 : memref<1x1664x32xf32, #tpu.memory_space<vmem>> -> memref<1664x32xf32, #tpu.memory_space<vmem>>
    tpu.enqueue_dma source(%dma_start3A_379 : memref<1664x32xf32, #tpu.memory_space<vmem>>) target(%dma_start3A_375 : memref<1664x32xf32, #tpu.memory_space<hbm>>) target_semaphore(%arg11 : memref<!tpu.dma_semaphore, #tpu.memory_space<semaphore_mem>>)
    %add3A_380 = arith.constant 9984 : i32
    %add3A_381 = arith.addi %mul3A_2, %add3A_380 : i32
    %dma_start3A_382 = arith.constant 0 : i32
    %dma_start3A_383 = arith.constant 0 : i32
    %dma_start3A_384 = tpu.memref_slice %arg5[%dma_start3A_382, %dma_start3A_383] : memref<2x1664xi32, #tpu.memory_space<vmem>> -> memref<1x1664xi32, #tpu.memory_space<vmem>>
    %dma_start3A_385 = tpu.memref_squeeze %dma_start3A_384 : memref<1x1664xi32, #tpu.memory_space<vmem>> -> memref<1664xi32, #tpu.memory_space<vmem>>
    %dma_start3A_386 = tpu.memref_slice %arg2[%add3A_381] : memref<425984xi32, #tpu.memory_space<hbm>> -> memref<1664xi32, #tpu.memory_space<hbm>>
    %dma_start3A_387 = arith.constant 0 : i32
    %dma_start3A_388 = tpu.memref_slice %arg5[%dma_start3A_382, %dma_start3A_387] : memref<2x1664xi32, #tpu.memory_space<vmem>> -> memref<1x1664xi32, #tpu.memory_space<vmem>>
    %dma_start3A_389 = tpu.memref_squeeze %dma_start3A_388 : memref<1x1664xi32, #tpu.memory_space<vmem>> -> memref<1664xi32, #tpu.memory_space<vmem>>
    %dma_start3A_390 = tpu.memref_slice %arg2[%add3A_381] : memref<425984xi32, #tpu.memory_space<hbm>> -> memref<1664xi32, #tpu.memory_space<hbm>>
    tpu.enqueue_dma source(%dma_start3A_390 : memref<1664xi32, #tpu.memory_space<hbm>>) target(%dma_start3A_389 : memref<1664xi32, #tpu.memory_space<vmem>>) target_semaphore(%arg7 : memref<!tpu.dma_semaphore, #tpu.memory_space<semaphore_mem>>)
    %dma_wait3A_391 = arith.constant 0 : i32
    %dma_wait3A_392 = arith.constant 0 : i32
    %dma_wait3A_393 = tpu.memref_slice %arg5[%dma_wait3A_391, %dma_wait3A_392] : memref<2x1664xi32, #tpu.memory_space<vmem>> -> memref<1x1664xi32, #tpu.memory_space<vmem>>
    %dma_wait3A_394 = tpu.memref_squeeze %dma_wait3A_393 : memref<1x1664xi32, #tpu.memory_space<vmem>> -> memref<1664xi32, #tpu.memory_space<vmem>>
    %dma_wait3A_395 = tpu.memref_slice %arg2[%add3A_381] : memref<425984xi32, #tpu.memory_space<hbm>> -> memref<1664xi32, #tpu.memory_space<hbm>>
    %dma_wait3A_396 = arith.constant 0 : i32
    %dma_wait3A_397 = tpu.memref_slice %arg5[%dma_wait3A_391, %dma_wait3A_396] : memref<2x1664xi32, #tpu.memory_space<vmem>> -> memref<1x1664xi32, #tpu.memory_space<vmem>>
    %dma_wait3A_398 = tpu.memref_squeeze %dma_wait3A_397 : memref<1x1664xi32, #tpu.memory_space<vmem>> -> memref<1664xi32, #tpu.memory_space<vmem>>
    %dma_wait3A_399 = tpu.memref_slice %arg2[%add3A_381] : memref<425984xi32, #tpu.memory_space<hbm>> -> memref<1664xi32, #tpu.memory_space<hbm>>
    tpu.wait_dma2 semaphore(%arg7 : memref<!tpu.dma_semaphore, #tpu.memory_space<semaphore_mem>>) src(%dma_wait3A_399 : memref<1664xi32, #tpu.memory_space<hbm>>) dst(%dma_wait3A_398 : memref<1664xi32, #tpu.memory_space<vmem>>)
    %dma_wait3A_400 = arith.constant 0 : i32
    %dma_wait3A_401 = arith.constant 0 : i32
    %dma_wait3A_402 = arith.constant 0 : i32
    %dma_wait3A_403 = tpu.memref_slice %arg6[%dma_wait3A_400, %dma_wait3A_401, %dma_wait3A_402] : memref<2x1664x32xf32, #tpu.memory_space<vmem>> -> memref<1x1664x32xf32, #tpu.memory_space<vmem>>
    %dma_wait3A_404 = tpu.memref_squeeze %dma_wait3A_403 : memref<1x1664x32xf32, #tpu.memory_space<vmem>> -> memref<1664x32xf32, #tpu.memory_space<vmem>>
    %dma_wait3A_405 = arith.constant 0 : i32
    %dma_wait3A_406 = tpu.memref_slice %arg4[%add3A_366, %dma_wait3A_405] : memref<425984x32xf32, #tpu.memory_space<hbm>> -> memref<1664x32xf32, #tpu.memory_space<hbm>>
    %dma_wait3A_407 = arith.constant 0 : i32
    %dma_wait3A_408 = tpu.memref_slice %arg4[%add3A_366, %dma_wait3A_407] : memref<425984x32xf32, #tpu.memory_space<hbm>> -> memref<1664x32xf32, #tpu.memory_space<hbm>>
    %dma_wait3A_409 = arith.constant 0 : i32
    %dma_wait3A_410 = arith.constant 0 : i32
    %dma_wait3A_411 = tpu.memref_slice %arg6[%dma_wait3A_400, %dma_wait3A_409, %dma_wait3A_410] : memref<2x1664x32xf32, #tpu.memory_space<vmem>> -> memref<1x1664x32xf32, #tpu.memory_space<vmem>>
    %dma_wait3A_412 = tpu.memref_squeeze %dma_wait3A_411 : memref<1x1664x32xf32, #tpu.memory_space<vmem>> -> memref<1664x32xf32, #tpu.memory_space<vmem>>
    tpu.wait_dma2 semaphore(%arg11 : memref<!tpu.dma_semaphore, #tpu.memory_space<semaphore_mem>>) src(%dma_wait3A_412 : memref<1664x32xf32, #tpu.memory_space<vmem>>) dst(%dma_wait3A_408 : memref<1664x32xf32, #tpu.memory_space<hbm>>)
    %dma_start3A_413 = arith.constant 0 : i32
    %dma_start3A_414 = arith.constant 0 : i32
    %dma_start3A_415 = arith.constant 0 : i32
    %dma_start3A_416 = arith.constant 0 : i32
    %dma_start3A_417 = tpu.memref_slice %arg6[%dma_start3A_414, %dma_start3A_415, %dma_start3A_416] : memref<2x1664x32xf32, #tpu.memory_space<vmem>> -> memref<1x1664x32xf32, #tpu.memory_space<vmem>>
    %dma_start3A_418 = tpu.memref_squeeze %dma_start3A_417 : memref<1x1664x32xf32, #tpu.memory_space<vmem>> -> memref<1664x32xf32, #tpu.memory_space<vmem>>
    %dma_start3A_419 = arith.constant 0 : i32
    %dma_start3A_420 = tpu.memref_slice %arg5[%dma_start3A_413, %dma_start3A_419] : memref<2x1664xi32, #tpu.memory_space<vmem>> -> memref<1x1664xi32, #tpu.memory_space<vmem>>
    %dma_start3A_421 = tpu.memref_squeeze %dma_start3A_420 : memref<1x1664xi32, #tpu.memory_space<vmem>> -> memref<1664xi32, #tpu.memory_space<vmem>>
    %dma_start3A_422 = arith.constant 0 : i32
    %dma_start3A_423 = arith.constant 0 : i32
    %dma_start3A_424 = tpu.memref_slice %arg3[%dma_start3A_422, %dma_start3A_423] : memref<4000000x32xf32, #tpu.memory_space<hbm>> -> memref<4000000x32xf32, #tpu.memory_space<hbm>>
    tpu.enqueue_indirect_dma source(%dma_start3A_424 : memref<4000000x32xf32, #tpu.memory_space<hbm>>) target(%dma_start3A_418 : memref<1664x32xf32, #tpu.memory_space<vmem>>) offsets(%dma_start3A_421 : memref<1664xi32, #tpu.memory_space<vmem>>) semaphore(%arg9 : memref<!tpu.dma_semaphore, #tpu.memory_space<semaphore_mem>>)
    %dma_wait3A_425 = arith.constant 1 : i32
    %dma_wait3A_426 = arith.constant 1 : i32
    %dma_wait3A_427 = arith.constant 0 : i32
    %dma_wait3A_428 = arith.constant 0 : i32
    %dma_wait3A_429 = tpu.memref_slice %arg6[%dma_wait3A_426, %dma_wait3A_427, %dma_wait3A_428] : memref<2x1664x32xf32, #tpu.memory_space<vmem>> -> memref<1x1664x32xf32, #tpu.memory_space<vmem>>
    %dma_wait3A_430 = tpu.memref_squeeze %dma_wait3A_429 : memref<1x1664x32xf32, #tpu.memory_space<vmem>> -> memref<1664x32xf32, #tpu.memory_space<vmem>>
    %dma_wait3A_431 = arith.constant 0 : i32
    %dma_wait3A_432 = tpu.memref_slice %arg5[%dma_wait3A_425, %dma_wait3A_431] : memref<2x1664xi32, #tpu.memory_space<vmem>> -> memref<1x1664xi32, #tpu.memory_space<vmem>>
    %dma_wait3A_433 = tpu.memref_squeeze %dma_wait3A_432 : memref<1x1664xi32, #tpu.memory_space<vmem>> -> memref<1664xi32, #tpu.memory_space<vmem>>
    %dma_wait3A_434 = arith.constant 0 : i32
    %dma_wait3A_435 = arith.constant 0 : i32
    %dma_wait3A_436 = tpu.memref_slice %arg3[%dma_wait3A_434, %dma_wait3A_435] : memref<4000000x32xf32, #tpu.memory_space<hbm>> -> memref<4000000x32xf32, #tpu.memory_space<hbm>>
    tpu.wait_indirect_dma semaphore(%arg10 : memref<!tpu.dma_semaphore, #tpu.memory_space<semaphore_mem>>) src(%dma_wait3A_436 : memref<4000000x32xf32, #tpu.memory_space<hbm>>) dst(%dma_wait3A_430 : memref<1664x32xf32, #tpu.memory_space<vmem>>)
    %add3A_437 = arith.constant 8320 : i32
    %add3A_438 = arith.addi %mul3A_2, %add3A_437 : i32
    %dma_start3A_439 = arith.constant 1 : i32
    %dma_start3A_440 = arith.constant 0 : i32
    %dma_start3A_441 = arith.constant 0 : i32
    %dma_start3A_442 = tpu.memref_slice %arg6[%dma_start3A_439, %dma_start3A_440, %dma_start3A_441] : memref<2x1664x32xf32, #tpu.memory_space<vmem>> -> memref<1x1664x32xf32, #tpu.memory_space<vmem>>
    %dma_start3A_443 = tpu.memref_squeeze %dma_start3A_442 : memref<1x1664x32xf32, #tpu.memory_space<vmem>> -> memref<1664x32xf32, #tpu.memory_space<vmem>>
    %dma_start3A_444 = arith.constant 0 : i32
    %dma_start3A_445 = tpu.memref_slice %arg4[%add3A_438, %dma_start3A_444] : memref<425984x32xf32, #tpu.memory_space<hbm>> -> memref<1664x32xf32, #tpu.memory_space<hbm>>
    %dma_start3A_446 = arith.constant 0 : i32
    %dma_start3A_447 = tpu.memref_slice %arg4[%add3A_438, %dma_start3A_446] : memref<425984x32xf32, #tpu.memory_space<hbm>> -> memref<1664x32xf32, #tpu.memory_space<hbm>>
    %dma_start3A_448 = arith.constant 0 : i32
    %dma_start3A_449 = arith.constant 0 : i32
    %dma_start3A_450 = tpu.memref_slice %arg6[%dma_start3A_439, %dma_start3A_448, %dma_start3A_449] : memref<2x1664x32xf32, #tpu.memory_space<vmem>> -> memref<1x1664x32xf32, #tpu.memory_space<vmem>>
    %dma_start3A_451 = tpu.memref_squeeze %dma_start3A_450 : memref<1x1664x32xf32, #tpu.memory_space<vmem>> -> memref<1664x32xf32, #tpu.memory_space<vmem>>
    tpu.enqueue_dma source(%dma_start3A_451 : memref<1664x32xf32, #tpu.memory_space<vmem>>) target(%dma_start3A_447 : memref<1664x32xf32, #tpu.memory_space<hbm>>) target_semaphore(%arg12 : memref<!tpu.dma_semaphore, #tpu.memory_space<semaphore_mem>>)
    %add3A_452 = arith.constant 11648 : i32
    %add3A_453 = arith.addi %mul3A_2, %add3A_452 : i32
    %dma_start3A_454 = arith.constant 1 : i32
    %dma_start3A_455 = arith.constant 0 : i32
    %dma_start3A_456 = tpu.memref_slice %arg5[%dma_start3A_454, %dma_start3A_455] : memref<2x1664xi32, #tpu.memory_space<vmem>> -> memref<1x1664xi32, #tpu.memory_space<vmem>>
    %dma_start3A_457 = tpu.memref_squeeze %dma_start3A_456 : memref<1x1664xi32, #tpu.memory_space<vmem>> -> memref<1664xi32, #tpu.memory_space<vmem>>
    %dma_start3A_458 = tpu.memref_slice %arg2[%add3A_453] : memref<425984xi32, #tpu.memory_space<hbm>> -> memref<1664xi32, #tpu.memory_space<hbm>>
    %dma_start3A_459 = arith.constant 0 : i32
    %dma_start3A_460 = tpu.memref_slice %arg5[%dma_start3A_454, %dma_start3A_459] : memref<2x1664xi32, #tpu.memory_space<vmem>> -> memref<1x1664xi32, #tpu.memory_space<vmem>>
    %dma_start3A_461 = tpu.memref_squeeze %dma_start3A_460 : memref<1x1664xi32, #tpu.memory_space<vmem>> -> memref<1664xi32, #tpu.memory_space<vmem>>
    %dma_start3A_462 = tpu.memref_slice %arg2[%add3A_453] : memref<425984xi32, #tpu.memory_space<hbm>> -> memref<1664xi32, #tpu.memory_space<hbm>>
    tpu.enqueue_dma source(%dma_start3A_462 : memref<1664xi32, #tpu.memory_space<hbm>>) target(%dma_start3A_461 : memref<1664xi32, #tpu.memory_space<vmem>>) target_semaphore(%arg8 : memref<!tpu.dma_semaphore, #tpu.memory_space<semaphore_mem>>)
    %dma_wait3A_463 = arith.constant 1 : i32
    %dma_wait3A_464 = arith.constant 0 : i32
    %dma_wait3A_465 = tpu.memref_slice %arg5[%dma_wait3A_463, %dma_wait3A_464] : memref<2x1664xi32, #tpu.memory_space<vmem>> -> memref<1x1664xi32, #tpu.memory_space<vmem>>
    %dma_wait3A_466 = tpu.memref_squeeze %dma_wait3A_465 : memref<1x1664xi32, #tpu.memory_space<vmem>> -> memref<1664xi32, #tpu.memory_space<vmem>>
    %dma_wait3A_467 = tpu.memref_slice %arg2[%add3A_453] : memref<425984xi32, #tpu.memory_space<hbm>> -> memref<1664xi32, #tpu.memory_space<hbm>>
    %dma_wait3A_468 = arith.constant 0 : i32
    %dma_wait3A_469 = tpu.memref_slice %arg5[%dma_wait3A_463, %dma_wait3A_468] : memref<2x1664xi32, #tpu.memory_space<vmem>> -> memref<1x1664xi32, #tpu.memory_space<vmem>>
    %dma_wait3A_470 = tpu.memref_squeeze %dma_wait3A_469 : memref<1x1664xi32, #tpu.memory_space<vmem>> -> memref<1664xi32, #tpu.memory_space<vmem>>
    %dma_wait3A_471 = tpu.memref_slice %arg2[%add3A_453] : memref<425984xi32, #tpu.memory_space<hbm>> -> memref<1664xi32, #tpu.memory_space<hbm>>
    tpu.wait_dma2 semaphore(%arg8 : memref<!tpu.dma_semaphore, #tpu.memory_space<semaphore_mem>>) src(%dma_wait3A_471 : memref<1664xi32, #tpu.memory_space<hbm>>) dst(%dma_wait3A_470 : memref<1664xi32, #tpu.memory_space<vmem>>)
    %dma_wait3A_472 = arith.constant 1 : i32
    %dma_wait3A_473 = arith.constant 0 : i32
    %dma_wait3A_474 = arith.constant 0 : i32
    %dma_wait3A_475 = tpu.memref_slice %arg6[%dma_wait3A_472, %dma_wait3A_473, %dma_wait3A_474] : memref<2x1664x32xf32, #tpu.memory_space<vmem>> -> memref<1x1664x32xf32, #tpu.memory_space<vmem>>
    %dma_wait3A_476 = tpu.memref_squeeze %dma_wait3A_475 : memref<1x1664x32xf32, #tpu.memory_space<vmem>> -> memref<1664x32xf32, #tpu.memory_space<vmem>>
    %dma_wait3A_477 = arith.constant 0 : i32
    %dma_wait3A_478 = tpu.memref_slice %arg4[%add3A_438, %dma_wait3A_477] : memref<425984x32xf32, #tpu.memory_space<hbm>> -> memref<1664x32xf32, #tpu.memory_space<hbm>>
    %dma_wait3A_479 = arith.constant 0 : i32
    %dma_wait3A_480 = tpu.memref_slice %arg4[%add3A_438, %dma_wait3A_479] : memref<425984x32xf32, #tpu.memory_space<hbm>> -> memref<1664x32xf32, #tpu.memory_space<hbm>>
    %dma_wait3A_481 = arith.constant 0 : i32
    %dma_wait3A_482 = arith.constant 0 : i32
    %dma_wait3A_483 = tpu.memref_slice %arg6[%dma_wait3A_472, %dma_wait3A_481, %dma_wait3A_482] : memref<2x1664x32xf32, #tpu.memory_space<vmem>> -> memref<1x1664x32xf32, #tpu.memory_space<vmem>>
    %dma_wait3A_484 = tpu.memref_squeeze %dma_wait3A_483 : memref<1x1664x32xf32, #tpu.memory_space<vmem>> -> memref<1664x32xf32, #tpu.memory_space<vmem>>
    tpu.wait_dma2 semaphore(%arg12 : memref<!tpu.dma_semaphore, #tpu.memory_space<semaphore_mem>>) src(%dma_wait3A_484 : memref<1664x32xf32, #tpu.memory_space<vmem>>) dst(%dma_wait3A_480 : memref<1664x32xf32, #tpu.memory_space<hbm>>)
    %dma_start3A_485 = arith.constant 1 : i32
    %dma_start3A_486 = arith.constant 1 : i32
    %dma_start3A_487 = arith.constant 0 : i32
    %dma_start3A_488 = arith.constant 0 : i32
    %dma_start3A_489 = tpu.memref_slice %arg6[%dma_start3A_486, %dma_start3A_487, %dma_start3A_488] : memref<2x1664x32xf32, #tpu.memory_space<vmem>> -> memref<1x1664x32xf32, #tpu.memory_space<vmem>>
    %dma_start3A_490 = tpu.memref_squeeze %dma_start3A_489 : memref<1x1664x32xf32, #tpu.memory_space<vmem>> -> memref<1664x32xf32, #tpu.memory_space<vmem>>
    %dma_start3A_491 = arith.constant 0 : i32
    %dma_start3A_492 = tpu.memref_slice %arg5[%dma_start3A_485, %dma_start3A_491] : memref<2x1664xi32, #tpu.memory_space<vmem>> -> memref<1x1664xi32, #tpu.memory_space<vmem>>
    %dma_start3A_493 = tpu.memref_squeeze %dma_start3A_492 : memref<1x1664xi32, #tpu.memory_space<vmem>> -> memref<1664xi32, #tpu.memory_space<vmem>>
    %dma_start3A_494 = arith.constant 0 : i32
    %dma_start3A_495 = arith.constant 0 : i32
    %dma_start3A_496 = tpu.memref_slice %arg3[%dma_start3A_494, %dma_start3A_495] : memref<4000000x32xf32, #tpu.memory_space<hbm>> -> memref<4000000x32xf32, #tpu.memory_space<hbm>>
    tpu.enqueue_indirect_dma source(%dma_start3A_496 : memref<4000000x32xf32, #tpu.memory_space<hbm>>) target(%dma_start3A_490 : memref<1664x32xf32, #tpu.memory_space<vmem>>) offsets(%dma_start3A_493 : memref<1664xi32, #tpu.memory_space<vmem>>) semaphore(%arg10 : memref<!tpu.dma_semaphore, #tpu.memory_space<semaphore_mem>>)
    %dma_wait3A_497 = arith.constant 0 : i32
    %dma_wait3A_498 = arith.constant 0 : i32
    %dma_wait3A_499 = arith.constant 0 : i32
    %dma_wait3A_500 = arith.constant 0 : i32
    %dma_wait3A_501 = tpu.memref_slice %arg6[%dma_wait3A_498, %dma_wait3A_499, %dma_wait3A_500] : memref<2x1664x32xf32, #tpu.memory_space<vmem>> -> memref<1x1664x32xf32, #tpu.memory_space<vmem>>
    %dma_wait3A_502 = tpu.memref_squeeze %dma_wait3A_501 : memref<1x1664x32xf32, #tpu.memory_space<vmem>> -> memref<1664x32xf32, #tpu.memory_space<vmem>>
    %dma_wait3A_503 = arith.constant 0 : i32
    %dma_wait3A_504 = tpu.memref_slice %arg5[%dma_wait3A_497, %dma_wait3A_503] : memref<2x1664xi32, #tpu.memory_space<vmem>> -> memref<1x1664xi32, #tpu.memory_space<vmem>>
    %dma_wait3A_505 = tpu.memref_squeeze %dma_wait3A_504 : memref<1x1664xi32, #tpu.memory_space<vmem>> -> memref<1664xi32, #tpu.memory_space<vmem>>
    %dma_wait3A_506 = arith.constant 0 : i32
    %dma_wait3A_507 = arith.constant 0 : i32
    %dma_wait3A_508 = tpu.memref_slice %arg3[%dma_wait3A_506, %dma_wait3A_507] : memref<4000000x32xf32, #tpu.memory_space<hbm>> -> memref<4000000x32xf32, #tpu.memory_space<hbm>>
    tpu.wait_indirect_dma semaphore(%arg9 : memref<!tpu.dma_semaphore, #tpu.memory_space<semaphore_mem>>) src(%dma_wait3A_508 : memref<4000000x32xf32, #tpu.memory_space<hbm>>) dst(%dma_wait3A_502 : memref<1664x32xf32, #tpu.memory_space<vmem>>)
    %add3A_509 = arith.constant 9984 : i32
    %add3A_510 = arith.addi %mul3A_2, %add3A_509 : i32
    %dma_start3A_511 = arith.constant 0 : i32
    %dma_start3A_512 = arith.constant 0 : i32
    %dma_start3A_513 = arith.constant 0 : i32
    %dma_start3A_514 = tpu.memref_slice %arg6[%dma_start3A_511, %dma_start3A_512, %dma_start3A_513] : memref<2x1664x32xf32, #tpu.memory_space<vmem>> -> memref<1x1664x32xf32, #tpu.memory_space<vmem>>
    %dma_start3A_515 = tpu.memref_squeeze %dma_start3A_514 : memref<1x1664x32xf32, #tpu.memory_space<vmem>> -> memref<1664x32xf32, #tpu.memory_space<vmem>>
    %dma_start3A_516 = arith.constant 0 : i32
    %dma_start3A_517 = tpu.memref_slice %arg4[%add3A_510, %dma_start3A_516] : memref<425984x32xf32, #tpu.memory_space<hbm>> -> memref<1664x32xf32, #tpu.memory_space<hbm>>
    %dma_start3A_518 = arith.constant 0 : i32
    %dma_start3A_519 = tpu.memref_slice %arg4[%add3A_510, %dma_start3A_518] : memref<425984x32xf32, #tpu.memory_space<hbm>> -> memref<1664x32xf32, #tpu.memory_space<hbm>>
    %dma_start3A_520 = arith.constant 0 : i32
    %dma_start3A_521 = arith.constant 0 : i32
    %dma_start3A_522 = tpu.memref_slice %arg6[%dma_start3A_511, %dma_start3A_520, %dma_start3A_521] : memref<2x1664x32xf32, #tpu.memory_space<vmem>> -> memref<1x1664x32xf32, #tpu.memory_space<vmem>>
    %dma_start3A_523 = tpu.memref_squeeze %dma_start3A_522 : memref<1x1664x32xf32, #tpu.memory_space<vmem>> -> memref<1664x32xf32, #tpu.memory_space<vmem>>
    tpu.enqueue_dma source(%dma_start3A_523 : memref<1664x32xf32, #tpu.memory_space<vmem>>) target(%dma_start3A_519 : memref<1664x32xf32, #tpu.memory_space<hbm>>) target_semaphore(%arg11 : memref<!tpu.dma_semaphore, #tpu.memory_space<semaphore_mem>>)
    %dma_wait3A_524 = arith.constant 1 : i32
    %dma_wait3A_525 = arith.constant 1 : i32
    %dma_wait3A_526 = arith.constant 0 : i32
    %dma_wait3A_527 = arith.constant 0 : i32
    %dma_wait3A_528 = tpu.memref_slice %arg6[%dma_wait3A_525, %dma_wait3A_526, %dma_wait3A_527] : memref<2x1664x32xf32, #tpu.memory_space<vmem>> -> memref<1x1664x32xf32, #tpu.memory_space<vmem>>
    %dma_wait3A_529 = tpu.memref_squeeze %dma_wait3A_528 : memref<1x1664x32xf32, #tpu.memory_space<vmem>> -> memref<1664x32xf32, #tpu.memory_space<vmem>>
    %dma_wait3A_530 = arith.constant 0 : i32
    %dma_wait3A_531 = tpu.memref_slice %arg5[%dma_wait3A_524, %dma_wait3A_530] : memref<2x1664xi32, #tpu.memory_space<vmem>> -> memref<1x1664xi32, #tpu.memory_space<vmem>>
    %dma_wait3A_532 = tpu.memref_squeeze %dma_wait3A_531 : memref<1x1664xi32, #tpu.memory_space<vmem>> -> memref<1664xi32, #tpu.memory_space<vmem>>
    %dma_wait3A_533 = arith.constant 0 : i32
    %dma_wait3A_534 = arith.constant 0 : i32
    %dma_wait3A_535 = tpu.memref_slice %arg3[%dma_wait3A_533, %dma_wait3A_534] : memref<4000000x32xf32, #tpu.memory_space<hbm>> -> memref<4000000x32xf32, #tpu.memory_space<hbm>>
    tpu.wait_indirect_dma semaphore(%arg10 : memref<!tpu.dma_semaphore, #tpu.memory_space<semaphore_mem>>) src(%dma_wait3A_535 : memref<4000000x32xf32, #tpu.memory_space<hbm>>) dst(%dma_wait3A_529 : memref<1664x32xf32, #tpu.memory_space<vmem>>)
    %add3A_536 = arith.constant 11648 : i32
    %add3A_537 = arith.addi %mul3A_2, %add3A_536 : i32
    %dma_start3A_538 = arith.constant 1 : i32
    %dma_start3A_539 = arith.constant 0 : i32
    %dma_start3A_540 = arith.constant 0 : i32
    %dma_start3A_541 = tpu.memref_slice %arg6[%dma_start3A_538, %dma_start3A_539, %dma_start3A_540] : memref<2x1664x32xf32, #tpu.memory_space<vmem>> -> memref<1x1664x32xf32, #tpu.memory_space<vmem>>
    %dma_start3A_542 = tpu.memref_squeeze %dma_start3A_541 : memref<1x1664x32xf32, #tpu.memory_space<vmem>> -> memref<1664x32xf32, #tpu.memory_space<vmem>>
    %dma_start3A_543 = arith.constant 0 : i32
    %dma_start3A_544 = tpu.memref_slice %arg4[%add3A_537, %dma_start3A_543] : memref<425984x32xf32, #tpu.memory_space<hbm>> -> memref<1664x32xf32, #tpu.memory_space<hbm>>
    %dma_start3A_545 = arith.constant 0 : i32
    %dma_start3A_546 = tpu.memref_slice %arg4[%add3A_537, %dma_start3A_545] : memref<425984x32xf32, #tpu.memory_space<hbm>> -> memref<1664x32xf32, #tpu.memory_space<hbm>>
    %dma_start3A_547 = arith.constant 0 : i32
    %dma_start3A_548 = arith.constant 0 : i32
    %dma_start3A_549 = tpu.memref_slice %arg6[%dma_start3A_538, %dma_start3A_547, %dma_start3A_548] : memref<2x1664x32xf32, #tpu.memory_space<vmem>> -> memref<1x1664x32xf32, #tpu.memory_space<vmem>>
    %dma_start3A_550 = tpu.memref_squeeze %dma_start3A_549 : memref<1x1664x32xf32, #tpu.memory_space<vmem>> -> memref<1664x32xf32, #tpu.memory_space<vmem>>
    tpu.enqueue_dma source(%dma_start3A_550 : memref<1664x32xf32, #tpu.memory_space<vmem>>) target(%dma_start3A_546 : memref<1664x32xf32, #tpu.memory_space<hbm>>) target_semaphore(%arg12 : memref<!tpu.dma_semaphore, #tpu.memory_space<semaphore_mem>>)
    %dma_wait3A_551 = arith.constant 0 : i32
    %dma_wait3A_552 = arith.constant 0 : i32
    %dma_wait3A_553 = arith.constant 0 : i32
    %dma_wait3A_554 = tpu.memref_slice %arg6[%dma_wait3A_551, %dma_wait3A_552, %dma_wait3A_553] : memref<2x1664x32xf32, #tpu.memory_space<vmem>> -> memref<1x1664x32xf32, #tpu.memory_space<vmem>>
    %dma_wait3A_555 = tpu.memref_squeeze %dma_wait3A_554 : memref<1x1664x32xf32, #tpu.memory_space<vmem>> -> memref<1664x32xf32, #tpu.memory_space<vmem>>
    %dma_wait3A_556 = arith.constant 0 : i32
    %dma_wait3A_557 = tpu.memref_slice %arg4[%add3A_510, %dma_wait3A_556] : memref<425984x32xf32, #tpu.memory_space<hbm>> -> memref<1664x32xf32, #tpu.memory_space<hbm>>
    %dma_wait3A_558 = arith.constant 0 : i32
    %dma_wait3A_559 = tpu.memref_slice %arg4[%add3A_510, %dma_wait3A_558] : memref<425984x32xf32, #tpu.memory_space<hbm>> -> memref<1664x32xf32, #tpu.memory_space<hbm>>
    %dma_wait3A_560 = arith.constant 0 : i32
    %dma_wait3A_561 = arith.constant 0 : i32
    %dma_wait3A_562 = tpu.memref_slice %arg6[%dma_wait3A_551, %dma_wait3A_560, %dma_wait3A_561] : memref<2x1664x32xf32, #tpu.memory_space<vmem>> -> memref<1x1664x32xf32, #tpu.memory_space<vmem>>
    %dma_wait3A_563 = tpu.memref_squeeze %dma_wait3A_562 : memref<1x1664x32xf32, #tpu.memory_space<vmem>> -> memref<1664x32xf32, #tpu.memory_space<vmem>>
    tpu.wait_dma2 semaphore(%arg11 : memref<!tpu.dma_semaphore, #tpu.memory_space<semaphore_mem>>) src(%dma_wait3A_563 : memref<1664x32xf32, #tpu.memory_space<vmem>>) dst(%dma_wait3A_559 : memref<1664x32xf32, #tpu.memory_space<hbm>>)
    %dma_wait3A_564 = arith.constant 1 : i32
    %dma_wait3A_565 = arith.constant 0 : i32
    %dma_wait3A_566 = arith.constant 0 : i32
    %dma_wait3A_567 = tpu.memref_slice %arg6[%dma_wait3A_564, %dma_wait3A_565, %dma_wait3A_566] : memref<2x1664x32xf32, #tpu.memory_space<vmem>> -> memref<1x1664x32xf32, #tpu.memory_space<vmem>>
    %dma_wait3A_568 = tpu.memref_squeeze %dma_wait3A_567 : memref<1x1664x32xf32, #tpu.memory_space<vmem>> -> memref<1664x32xf32, #tpu.memory_space<vmem>>
    %dma_wait3A_569 = arith.constant 0 : i32
    %dma_wait3A_570 = tpu.memref_slice %arg4[%add3A_537, %dma_wait3A_569] : memref<425984x32xf32, #tpu.memory_space<hbm>> -> memref<1664x32xf32, #tpu.memory_space<hbm>>
    %dma_wait3A_571 = arith.constant 0 : i32
    %dma_wait3A_572 = tpu.memref_slice %arg4[%add3A_537, %dma_wait3A_571] : memref<425984x32xf32, #tpu.memory_space<hbm>> -> memref<1664x32xf32, #tpu.memory_space<hbm>>
    %dma_wait3A_573 = arith.constant 0 : i32
    %dma_wait3A_574 = arith.constant 0 : i32
    %dma_wait3A_575 = tpu.memref_slice %arg6[%dma_wait3A_564, %dma_wait3A_573, %dma_wait3A_574] : memref<2x1664x32xf32, #tpu.memory_space<vmem>> -> memref<1x1664x32xf32, #tpu.memory_space<vmem>>
    %dma_wait3A_576 = tpu.memref_squeeze %dma_wait3A_575 : memref<1x1664x32xf32, #tpu.memory_space<vmem>> -> memref<1664x32xf32, #tpu.memory_space<vmem>>
    tpu.wait_dma2 semaphore(%arg12 : memref<!tpu.dma_semaphore, #tpu.memory_space<semaphore_mem>>) src(%dma_wait3A_576 : memref<1664x32xf32, #tpu.memory_space<vmem>>) dst(%dma_wait3A_572 : memref<1664x32xf32, #tpu.memory_space<hbm>>)
    return
  }
}

</mosaic_0001>

<sc_bundles>
// kernel: kernel.3.cloned.1.call-start
scs
__scs_entry_jumppad:
0x0: {  	(pc) =	sbr.rel $0x88, $3  }
0x1: {  	(tag) =	ssettag $0x0;
	lr =	simm.s32 $0x1  }
0x2: {  	[smem:$0x3F9F] =	sst lr;
	_ =	strace $0xD0000000  }
0x3: {  	_ = 	snop  }
0x4: {  	_ = 	snop  }
0x5: {  	_ = 	snop  }
0x6: {  	_ = 	snop  }
0x7: {  	_ = 	snop  }
__scs_overlays_trampoline_lowered:
0x8: {  	[smem:$0x3FAE] =	sst s0  }
0x9: {  	[smem:$0x3FAF] =	sst s1  }
0xa: {  	[smem:$0x3FB0] =	sst s2  }
0xb: {  	[smem:$0x3FB1] =	sst s3  }
0xc: {  	[smem:$0x3FB2] =	sst s4  }
0xd: {  	[smem:$0x3FB3] =	sst s5  }
0xe: {  	[smem:$0x3FB4] =	sst s6  }
0xf: {  	[smem:$0x3FB5] =	sst s7  }
0x10: {  	[smem:$0x3FB6] =	sst s8  }
0x11: {  	[smem:$0x3FB7] =	sst s9;
	s0 =	simm.s32 @!p0 $0x0  }
0x12: {  	s1 =	sld [smem:$0x3F9D];
	s0 =	simm.s32 @p0 $0x1  }
0x13: {  	[smem:$0x3FB8] =	sst s0;
	s0 =	simm.s32 @!p1 $0x0  }
0x14: {  	s2 =	sld [smem:$0x3F9C];
	s0 =	simm.s32 @p1 $0x1  }
0x15: {  	[smem:$0x3FB9] =	sst s0;
	s0 =	simm.s32 @!p2 $0x0  }
0x16: {  	s3 =	sld [smem:$0x3FDB];
	s0 =	simm.s32 @p2 $0x1  }
0x17: {  	s4 =	simm.s32 $0x1BF5;
	[smem:$0x3FBB] =	sst s0  }
0x18: {  	s0 =	sld [smem:$0x3F9E];
	_ =	swait.ge [sflag:s4], $0x0  }
0x19: {  	s7 =	sld [smem:$0x3F9F]  }
0x1a: {  	s8 =	sadd.s32 $0xFFFFE003, lr  }
0x1b: {  	s9 =	sadd.s32 $0xFFFFFEF7, lr;
	s5 =	simm.s32 $0xFFFFFFFF;
	p2 =	slt.u32 s8, $0xFFFFF086  }
0x1c: {  	p1 =	slt.u32 s9, $0xF7A;
	s5 =	simm.s32 @!p2 $0x0  }
0x1d: {  	s5 =	simm.s32 @p1 $0x1;
	p0 =	seq.s32 s7, s2  }
0x1e: {  	s7 =	smul.u32 @!p0 $0xF7A, s2;
	p2 =	seq.s32 @!p0 s5, $0x0  }
0x1f: {  	s9 =	smul.u32 $0xF7A, s1;
	s8 =	simm.s32 @!p0 $0x1BF5;
	p2 =	por !p2, p0  }
0x20: {  	[sflag:s8] =	ssyncset.s32 @!p0 $0xFFFFF086;
	s6 =	sadd.s32 @!p0 s3, s7;
	s7 =	simm.s32 @!p0 $0x108  }
0x21: {  	s3 =	sadd.s32 s3, s9;
	s6 =	sadd.s32 @!p0 $0x88, s6;
	s7 =	simm.s32 @p2 $0x1082  }
0x22: {  	[simem:s7], [sflag:s8] =	dma.local @!p0 [hbm:s6], $0xF7A  }
0x23: {  	s9 =	sor.u32 $0xD0000000, s2;
	s6 =	simm.s32 $0x108;
	_ =	swait.ge @!p0 [sflag:s8], $0x0  }
0x24: {  	s3 =	sadd.s32 $0x88, s3;
	s6 =	simm.s32 @!p1 $0x1082;
	[sflag:s4] =	ssyncset.s32 $0xFFFFF086  }
0x25: {  	[simem:s6], [sflag:s4] =	dma.local [hbm:s3], $0xF7A  }
0x26: {  	[smem:$0x3F9F] =	sst s1;
	(tag) =	ssettag s2;
	_ =	strace s9  }
0x27: {  	s1 =	sld [smem:$0x3FAF]  }
0x28: {  	s2 =	sld [smem:$0x3FB0]  }
0x29: {  	s4 =	sld [smem:$0x3FB2]  }
0x2a: {  	p0 =	seq.s32 s5, $0x0;
	s5 =	sld [smem:$0x3FB3]  }
0x2b: {  	s6 =	sld [smem:$0x3FB4]  }
0x2c: {  	s7 =	sld [smem:$0x3FB5]  }
0x2d: {  	s3 =	simm.s32 $0x108;
	s8 =	sld [smem:$0x3FB6]  }
0x2e: {  	s3 =	simm.s32 @!p0 $0x1082;
	s9 =	sld [smem:$0x3FB7]  }
0x2f: {  	lr =	sadd.s32 s0, s3;
	s0 =	sld [smem:$0x3FAE]  }
0x30: {  	s3 =	sld [smem:$0x3FB1]  }
0x31: {  	[smem:$0x3FBA] =	sst s10  }
0x32: {  	s10 =	sld [smem:$0x3FB8];
	_ =	sdelay $0x3  }
0x33: {  	p0 =	seq.s32 s10, $0x1;
	s10 =	sld [smem:$0x3FBA];
	_ =	sdelay $0x3  }
0x34: {  	[smem:$0x3FBA] =	sst s10  }
0x35: {  	s10 =	sld [smem:$0x3FB9];
	_ =	sdelay $0x3  }
0x36: {  	p1 =	seq.s32 s10, $0x1;
	s10 =	sld [smem:$0x3FBA];
	_ =	sdelay $0x3  }
0x37: {  	[smem:$0x3FBA] =	sst s10  }
0x38: {  	s10 =	sld [smem:$0x3FBB]  }
0x39: {  	_ = 	snop;
	(pc) =	sbr.ind lr, $3  }
0x3a: {  	_ = 	snop  }
0x3b: {  	_ = 	snop  }
0x3c: {  	p2 =	seq.s32 s10, $0x1;
	s10 =	sld [smem:$0x3FBA]  }
0x3d: {  	_ =	shalt  }
0x3e: {  	_ =	shalt  }
0x3f: {  	_ =	shalt  }
0x40: {  	_ =	shalt  }
0x41: {  	_ =	shalt  }
0x42: {  	_ =	shalt  }
0x43: {  	_ =	shalt  }
0x44: {  	_ =	shalt  }
0x45: {  	_ =	shalt  }
0x46: {  	_ =	shalt  }
0x47: {  	_ =	shalt  }
0x48: {  	_ =	shalt  }
0x49: {  	_ =	shalt  }
0x4a: {  	_ =	shalt  }
0x4b: {  	_ =	shalt  }
0x4c: {  	_ =	shalt  }
0x4d: {  	_ =	shalt  }
0x4e: {  	_ =	shalt  }
0x4f: {  	_ =	shalt  }
0x50: {  	_ =	shalt  }
0x51: {  	_ =	shalt  }
0x52: {  	_ =	shalt  }
0x53: {  	_ =	shalt  }
0x54: {  	_ =	shalt  }
0x55: {  	_ =	shalt  }
0x56: {  	_ =	shalt  }
0x57: {  	_ =	shalt  }
0x58: {  	_ =	shalt  }
0x59: {  	_ =	shalt  }
0x5a: {  	_ =	shalt  }
0x5b: {  	_ =	shalt  }
0x5c: {  	_ =	shalt  }
0x5d: {  	_ =	shalt  }
0x5e: {  	_ =	shalt  }
0x5f: {  	_ =	shalt  }
0x60: {  	_ =	shalt  }
0x61: {  	_ =	shalt  }
0x62: {  	_ =	shalt  }
0x63: {  	_ =	shalt  }
0x64: {  	_ =	shalt  }
0x65: {  	_ =	shalt  }
0x66: {  	_ =	shalt  }
0x67: {  	_ =	shalt  }
0x68: {  	_ =	shalt  }
0x69: {  	_ =	shalt  }
0x6a: {  	_ =	shalt  }
0x6b: {  	_ =	shalt  }
0x6c: {  	_ =	shalt  }
0x6d: {  	_ =	shalt  }
0x6e: {  	_ =	shalt  }
0x6f: {  	_ =	shalt  }
0x70: {  	_ =	shalt  }
0x71: {  	_ =	shalt  }
0x72: {  	_ =	shalt  }
0x73: {  	_ =	shalt  }
0x74: {  	_ =	shalt  }
0x75: {  	_ =	shalt  }
0x76: {  	_ =	shalt  }
0x77: {  	_ =	shalt  }
0x78: {  	_ =	shalt  }
0x79: {  	_ =	shalt  }
0x7a: {  	_ =	shalt  }
0x7b: {  	_ =	shalt  }
0x7c: {  	_ =	shalt  }
0x7d: {  	_ =	shalt  }
0x7e: {  	_ =	shalt  }
0x7f: {  	_ =	shalt  }
0x80: {  	_ =	shalt  }
0x81: {  	_ =	shalt  }
0x82: {  	_ =	shalt  }
0x83: {  	_ =	shalt  }
0x84: {  	_ =	shalt  }
0x85: {  	_ =	shalt  }
0x86: {  	_ =	shalt  }
0x87: {  	_ =	shalt  }
.Lfunc_end0:
.L_simem_size_0:
called_computation.2_lowered:
.L_overlay_start_0:
0x88: {  	s2 =	sld [smem:$0x3FD9]  }
0x89: {  	s3 =	sld [smem:$0x3FFE];
	_ =	sdelay $0x1  }
0x8a: {  	s1 =	srdreg.scid  }
0x8b: {  	s0 =	sand.u32 $0x1, s1  }
0x8c: {  	s17 =	sshll.u32 s0, $0xA;
	s2 =	sadd.s32 s3, s2  }
0x8d: {  	s2 =	sadd.s32 s2, s17  }
0x8e: {  	[smem:$0x3FC6] =	sst s2  }
0x8f: {  	_ = 	snop  }
0x90: {  	s2 =	sld [smem:$0x3FD0];
	(tm) =	ssettm $0x1  }
0x91: {  	s18 =	sld [smem:$0x3FFB];
	_ =	sdelay $0x3  }
0x92: {  	_ =	strace s18  }
0x93: {  	s3 =	sld [smem:$0x3FFC];
	_ =	sdelay $0x3  }
0x94: {  	_ =	strace s3  }
0x95: {  	s3 =	sld [smem:$0x3FFD];
	_ =	sdelay $0x3  }
0x96: {  	_ =	strace s3  }
0x97: {  	_ =	strace $0x8FFFFFFF  }
0x98: {  	s19 =	sld [smem:$0x3FDB];
	_ =	sdelay $0x1  }
0x99: {  	s4 =	simm.s32 $_scs_section_size  }
0x9a: {  	s5 =	simm.s32 $_size__tile_overlayer_lowered;
	s6 =	simm.s32 $_tile_overlayer_lowered  }
0x9b: {  	s22 =	simm.s32 $0x1BFF;
	s21 =	sshll.u32 s6, $0x1;
	s3 =	sadd.s32 s4, s19  }
0x9c: {  	s7 =	simm.s32 $0x0;
	s20 =	sshll.u32 s5, $0x1;
	s5 =	sadd.s32 s21, s3  }
0x9d: {  	[timem:s7], [sflag:s22] =	dma.local [hbm:s5], s20  }
0x9e: {  	_ =	swait.ge [sflag:s22], s20  }
0x9f: {  	s4 =	ssub.s32 $0x0, s20;
	[sflag:s22] =	ssyncset.done $0x0  }
0xa0: {  	[sflag:s22] =	ssyncadd.s32 s4;
	_ =	sdelay $0x1  }
0xa1: {  	s23 =	simm.s32 $0x1B8B  }
0xa2: {  	_ =	swait.ge [sflag:s23], $0x1  }
0xa3: {  	[sflag:s23] =	ssyncset.done $0x0  }
0xa4: {  	s25 =	simm.s32 $0x1B8E;
	s24 =	sld [smem:$0x3FFE];
	[sflag:s23] =	ssyncadd.s32 $0xFFFFFFFF  }
0xa5: {  	s26 =	simm.s32 $execute0_lowered;
	[smem:$0x3FD2] =	sst s25  }
0xa6: {  	s5 =	sshll.u32 s26, $0x1;
	_ =	strace $0x80000049;
	[dreg:$0x1] =	wrdreg $0xFFFFFFFF  }
0xa7: {  	s28 =	simm.s32 $_size_execute0_lowered;
	s3 =	sadd.s32 s3, s5;
	[dreg:$0x0] =	wrdreg $0x0  }
0xa8: {  	s5 =	sshll.u32 s28, $0x1;
	[dreg:$0x2] =	wrdreg s3  }
0xa9: {  	[dreg:$0x3] =	wrdreg s5  }
0xaa: {  	[dreg:$0x4] =	wrdreg $0xC0  }
0xab: {  	_ =	task [dreg:s7], $0x5FFFF  }
0xac: {  	[dreg:$0x1] =	wrdreg $0xFFFFFFFF  }
0xad: {  	[dreg:$0x0] =	wrdreg $0x60  }
0xae: {  	[dreg:$0x2] =	wrdreg s24  }
0xaf: {  	[dreg:$0x3] =	wrdreg s2  }
0xb0: {  	[dreg:$0x4] =	wrdreg $0x9  }
0xb1: {  	_ =	task.clear_ibuf [dreg:s7], $0x5FFFF;
	_ =	strace $0x90000049  }
0xb2: {  	s29 =	simm.s32 $0x9;
	_ =	strace $0x8000004B  }
0xb3: {  	_ =	swait.ge [sflag:s29], $0x1  }
0xb4: {  	[sflag:s29] =	ssyncadd.s32 $0xFFFFFFFF  }
0xb5: {  	_ =	strace $0x9000004B  }
0xb6: {  	_ =	sfence  }
0xb7: {  	s30 =	sld [smem:$0x0];
	_ =	sdelay $0x2  }
0xb8: {  	s31 =	sshll.u32 s1, $0xD;
	s1 =	sshrl.u32 s1, $0x2  }
0xb9: {  	s3 =	sand.u32 $0x4000, s31;
	s1 =	sadd.s32 s1, s30  }
0xba: {  	s0 =	sor.u32 s3, s0;
	s1 =	sshll.u32 s1, $0x11  }
0xbb: {  	s0 =	sor.u32 s1, s0  }
0xbc: {  	s0 =	sadd.s32 $0x8F2B, s0  }
0xbd: {  	[sflag:s0] =	ssyncadd.remote.s32 $0x1  }
0xbe: {  	_ =	sfence.sel $0xFFFF  }
0xbf: {  	[dreg:$0x0] =	wrdreg $0xFFFFFFFF;
	(pc) =	sbr.abs _section_cstart, $3  }
0xc0: {  	[dreg:$0x1] =	wrdreg $0xFFFFFFFF  }
0xc1: {  	_ =	task.clear_ibuf [dreg:s7], $0x2FFFF;
	_ =	strace $0x9FFFFFFF  }
0xc2: {  	(tm) =	ssettm $0x7FFFFFFF  }
0xc3: {  	_ =	shalt  }
tec
execute0_lowered:
.L_overlay_start_1:
0x0: {  	(tag) =	ssettag $0x1  }
0x1: {  	s1 =	srdreg.scid;
	s0 =	stileid.u32  }
0x2: {  	s30 =	sand.u32 $0x1, s1;
	s26 =	sshll.u32 s0, $0x1  }
0x3: {  	s7 =	rddreg [dreg:$0x0];
	s12 =	sor.u32 s30, s26  }
0x4: {  	s29 =	rddreg [dreg:$0x1];
	s2 =	simm.s32 $0x0;
	s28 =	smul.u32 $0x3400, s12  }
0x5: {  	[smem:$0x7FF] =	sst s2  }
0x6: {  	s26 =	sadd.s32 $0xF43200, s7;
	s3 =	sshrl.u32 s28, $0x3;
	s16 =	sadd.s32 $0x680, s28  }
0x7: {  	_ =	strace $0x8000004A;
	s3 =	sadd.s32 s26, s3;
	s4 =	sshrl.u32 s16, $0x3  }
0x8: {  	[tilespmem:s2], [sflag:$0x1] =	stream.linear.gather [hbm4b:s3+s2], $0x680, $0x38;
	[tilespmem:$0x1AD00] =	vst v63  }
0x9: {  	s5 =	simm.s32 $0x680;
	s6 =	simm.s32 $0x1;
	s4 =	sadd.s32 s26, s4  }
0xa: {  	[tilespmem:s5], [sflag:$0x2] =	stream.linear.gather [hbm4b:s4+s2], $0x680, $0x38;
	[tilespmem:$0x1AD00] =	vst v63  }
0xb: {  	_ =	swait.ge [sflag:s6], $0x680  }
0xc: {  	s8 =	simm.s32 $0xD00;
	[sflag:s6] =	ssyncset.done $0x0  }
0xd: {  	s9 =	simm.s32 $0x2;
	s7 =	sadd.s32 $0xF50200, s7;
	[sflag:s6] =	ssyncadd.s32 $0xFFFFF980  }
0xe: {  	[tilespmem:s8], [sflag:$0x3] =	stream.indirect.gather [hbm4b:s7+s5], $0x20, s2, s5, $0xb8;
	[tilespmem:$0x1AD00] =	vst v63  }
0xf: {  	_ =	swait.ge [sflag:s9], $0x680  }
0x10: {  	[sflag:s9] =	ssyncset.done $0x0  }
0x11: {  	s10 =	simm.s32 $0xDD00;
	s11 =	simm.s32 $0x3;
	[sflag:s9] =	ssyncadd.s32 $0xFFFFF980  }
0x12: {  	[tilespmem:s10], [sflag:$0x4] =	stream.indirect.gather [hbm4b:s7+s5], $0x20, s5, s5, $0xb8;
	[tilespmem:$0x1AD00] =	vst v63  }
0x13: {  	s12 =	smul.u32 $0xD000, s12;
	_ =	swait.ge [sflag:s11], $0xD000  }
0x14: {  	s19 =	sadd.s32 $0xD00, s28;
	[sflag:s11] =	ssyncset.done $0x0  }
0x15: {  	s12 =	sadd.s32 s29, s12;
	s13 =	sshrl.u32 s19, $0x3;
	[sflag:s11] =	ssyncadd.s32 $0xFFFF3000  }
0x16: {  	[hbm4b:s12+s2] =	stream.linear.scatter [tilespmem:s8], [sflag:$0x5], $0xD000, $0x38;
	[tilespmem:$0x1AD00] =	vst v63  }
0x17: {  	s13 =	sadd.s32 s26, s13  }
0x18: {  	[tilespmem:s2], [sflag:$0x1] =	stream.linear.gather [hbm4b:s13+s2], $0x680, $0x38;
	[tilespmem:$0x1AD00] =	vst v63  }
0x19: {  	_ =	swait.ge [sflag:s6], $0x680  }
0x1a: {  	[sflag:s6] =	ssyncset.done $0x0  }
0x1b: {  	s14 =	simm.s32 $0x5;
	[sflag:s6] =	ssyncadd.s32 $0xFFFFF980  }
0x1c: {  	_ =	swait.ge [sflag:s14], $0xD000  }
0x1d: {  	[sflag:s14] =	ssyncset.done $0x0  }
0x1e: {  	s15 =	simm.s32 $0x4;
	[sflag:s14] =	ssyncadd.s32 $0xFFFF3000  }
0x1f: {  	[tilespmem:s8], [sflag:$0x3] =	stream.indirect.gather [hbm4b:s7+s5], $0x20, s2, s5, $0xb8;
	[tilespmem:$0x1AD00] =	vst v63  }
0x20: {  	_ =	swait.ge [sflag:s15], $0xD000  }
0x21: {  	s21 =	sadd.s32 $0x1380, s28;
	s16 =	sshll.u32 s16, $0x2;
	[sflag:s15] =	ssyncset.done $0x0  }
0x22: {  	s17 =	sshrl.u32 s21, $0x3;
	s16 =	sadd.s32 s29, s16;
	[sflag:s15] =	ssyncadd.s32 $0xFFFF3000  }
0x23: {  	[hbm4b:s16+s2] =	stream.linear.scatter [tilespmem:s10], [sflag:$0x6], $0xD000, $0x38;
	[tilespmem:$0x1AD00] =	vst v63  }
0x24: {  	s17 =	sadd.s32 s26, s17  }
0x25: {  	[tilespmem:s5], [sflag:$0x2] =	stream.linear.gather [hbm4b:s17+s2], $0x680, $0x38;
	[tilespmem:$0x1AD00] =	vst v63  }
0x26: {  	_ =	swait.ge [sflag:s9], $0x680  }
0x27: {  	[sflag:s9] =	ssyncset.done $0x0  }
0x28: {  	s18 =	simm.s32 $0x6;
	[sflag:s9] =	ssyncadd.s32 $0xFFFFF980  }
0x29: {  	_ =	swait.ge [sflag:s18], $0xD000  }
0x2a: {  	[sflag:s18] =	ssyncset.done $0x0  }
0x2b: {  	[sflag:s18] =	ssyncadd.s32 $0xFFFF3000  }
0x2c: {  	[tilespmem:s10], [sflag:$0x4] =	stream.indirect.gather [hbm4b:s7+s5], $0x20, s5, s5, $0xb8;
	[tilespmem:$0x1AD00] =	vst v63  }
0x2d: {  	_ =	swait.ge [sflag:s11], $0xD000  }
0x2e: {  	s23 =	sadd.s32 $0x1A00, s28;
	s19 =	sshll.u32 s19, $0x2;
	[sflag:s11] =	ssyncset.done $0x0  }
0x2f: {  	s20 =	sshrl.u32 s23, $0x3;
	s19 =	sadd.s32 s29, s19;
	[sflag:s11] =	ssyncadd.s32 $0xFFFF3000  }
0x30: {  	[hbm4b:s19+s2] =	stream.linear.scatter [tilespmem:s8], [sflag:$0x5], $0xD000, $0x38;
	[tilespmem:$0x1AD00] =	vst v63  }
0x31: {  	s20 =	sadd.s32 s26, s20  }
0x32: {  	[tilespmem:s2], [sflag:$0x1] =	stream.linear.gather [hbm4b:s20+s2], $0x680, $0x38;
	[tilespmem:$0x1AD00] =	vst v63  }
0x33: {  	_ =	swait.ge [sflag:s6], $0x680  }
0x34: {  	[sflag:s6] =	ssyncset.done $0x0  }
0x35: {  	[sflag:s6] =	ssyncadd.s32 $0xFFFFF980  }
0x36: {  	_ =	swait.ge [sflag:s14], $0xD000  }
0x37: {  	[sflag:s14] =	ssyncset.done $0x0  }
0x38: {  	[sflag:s14] =	ssyncadd.s32 $0xFFFF3000  }
0x39: {  	[tilespmem:s8], [sflag:$0x3] =	stream.indirect.gather [hbm4b:s7+s5], $0x20, s2, s5, $0xb8;
	[tilespmem:$0x1AD00] =	vst v63  }
0x3a: {  	_ =	swait.ge [sflag:s15], $0xD000  }
0x3b: {  	s25 =	sadd.s32 $0x2080, s28;
	s21 =	sshll.u32 s21, $0x2;
	[sflag:s15] =	ssyncset.done $0x0  }
0x3c: {  	s22 =	sshrl.u32 s25, $0x3;
	s21 =	sadd.s32 s29, s21;
	[sflag:s15] =	ssyncadd.s32 $0xFFFF3000  }
0x3d: {  	[hbm4b:s21+s2] =	stream.linear.scatter [tilespmem:s10], [sflag:$0x6], $0xD000, $0x38;
	[tilespmem:$0x1AD00] =	vst v63  }
0x3e: {  	s22 =	sadd.s32 s26, s22  }
0x3f: {  	[tilespmem:s5], [sflag:$0x2] =	stream.linear.gather [hbm4b:s22+s2], $0x680, $0x38;
	[tilespmem:$0x1AD00] =	vst v63  }
0x40: {  	_ =	swait.ge [sflag:s9], $0x680  }
0x41: {  	[sflag:s9] =	ssyncset.done $0x0  }
0x42: {  	[sflag:s9] =	ssyncadd.s32 $0xFFFFF980  }
0x43: {  	_ =	swait.ge [sflag:s18], $0xD000  }
0x44: {  	[sflag:s18] =	ssyncset.done $0x0  }
0x45: {  	[sflag:s18] =	ssyncadd.s32 $0xFFFF3000  }
0x46: {  	[tilespmem:s10], [sflag:$0x4] =	stream.indirect.gather [hbm4b:s7+s5], $0x20, s5, s5, $0xb8;
	[tilespmem:$0x1AD00] =	vst v63  }
0x47: {  	_ =	swait.ge [sflag:s11], $0xD000  }
0x48: {  	s31 =	sadd.s32 $0x2700, s28;
	s23 =	sshll.u32 s23, $0x2;
	[sflag:s11] =	ssyncset.done $0x0  }
0x49: {  	s24 =	sshrl.u32 s31, $0x3;
	s23 =	sadd.s32 s29, s23;
	[sflag:s11] =	ssyncadd.s32 $0xFFFF3000  }
0x4a: {  	[hbm4b:s23+s2] =	stream.linear.scatter [tilespmem:s8], [sflag:$0x5], $0xD000, $0x38;
	[tilespmem:$0x1AD00] =	vst v63  }
0x4b: {  	s24 =	sadd.s32 s26, s24  }
0x4c: {  	[tilespmem:s2], [sflag:$0x1] =	stream.linear.gather [hbm4b:s24+s2], $0x680, $0x38;
	[tilespmem:$0x1AD00] =	vst v63  }
0x4d: {  	_ =	swait.ge [sflag:s6], $0x680  }
0x4e: {  	[sflag:s6] =	ssyncset.done $0x0  }
0x4f: {  	[sflag:s6] =	ssyncadd.s32 $0xFFFFF980  }
0x50: {  	_ =	swait.ge [sflag:s14], $0xD000  }
0x51: {  	[sflag:s14] =	ssyncset.done $0x0  }
0x52: {  	[sflag:s14] =	ssyncadd.s32 $0xFFFF3000  }
0x53: {  	[tilespmem:s8], [sflag:$0x3] =	stream.indirect.gather [hbm4b:s7+s5], $0x20, s2, s5, $0xb8;
	[tilespmem:$0x1AD00] =	vst v63  }
0x54: {  	_ =	swait.ge [sflag:s15], $0xD000  }
0x55: {  	s1 =	sadd.s32 $0x2D80, s28;
	s25 =	sshll.u32 s25, $0x2;
	[sflag:s15] =	ssyncset.done $0x0  }
0x56: {  	s28 =	sshrl.u32 s1, $0x3;
	s25 =	sadd.s32 s29, s25;
	[sflag:s15] =	ssyncadd.s32 $0xFFFF3000  }
0x57: {  	[hbm4b:s25+s2] =	stream.linear.scatter [tilespmem:s10], [sflag:$0x6], $0xD000, $0x38;
	[tilespmem:$0x1AD00] =	vst v63  }
0x58: {  	s26 =	sadd.s32 s26, s28  }
0x59: {  	[tilespmem:s5], [sflag:$0x2] =	stream.linear.gather [hbm4b:s26+s2], $0x680, $0x38;
	[tilespmem:$0x1AD00] =	vst v63  }
0x5a: {  	_ =	swait.ge [sflag:s9], $0x680  }
0x5b: {  	[sflag:s9] =	ssyncset.done $0x0  }
0x5c: {  	[sflag:s9] =	ssyncadd.s32 $0xFFFFF980  }
0x5d: {  	_ =	swait.ge [sflag:s18], $0xD000  }
0x5e: {  	[sflag:s18] =	ssyncset.done $0x0  }
0x5f: {  	[sflag:s18] =	ssyncadd.s32 $0xFFFF3000  }
0x60: {  	[tilespmem:s10], [sflag:$0x4] =	stream.indirect.gather [hbm4b:s7+s5], $0x20, s5, s5, $0xb8;
	[tilespmem:$0x1AD00] =	vst v63  }
0x61: {  	s1 =	sshll.u32 s1, $0x2;
	_ =	swait.ge [sflag:s11], $0xD000  }
0x62: {  	s28 =	sshll.u32 s31, $0x2;
	s31 =	ssub.s32 $0x2, s30;
	[sflag:s11] =	ssyncset.done $0x0  }
0x63: {  	s28 =	sadd.s32 s29, s28;
	s30 =	sshrl.u32 s31, $0x1;
	[sflag:s11] =	ssyncadd.s32 $0xFFFF3000  }
0x64: {  	[hbm4b:s28+s2] =	stream.linear.scatter [tilespmem:s8], [sflag:$0x5], $0xD000, $0x38;
	[tilespmem:$0x1AD00] =	vst v63  }
0x65: {  	s29 =	sadd.s32 s29, s1;
	s1 =	ssub.s32 s31, s30;
	_ =	swait.ge [sflag:s15], $0xD000  }
0x66: {  	s1 =	smax.u32 s1, $0x1;
	[sflag:s15] =	ssyncset.done $0x0  }
0x67: {  	p0 =	sne.s32 s1, $0x1;
	[sflag:s15] =	ssyncadd.s32 $0xFFFF3000  }
0x68: {  	[hbm4b:s29+s2] =	stream.linear.scatter [tilespmem:s10], [sflag:$0x6], $0xD000, $0x38;
	[tilespmem:$0x1AD00] =	vst v63  }
.Ltmp0:
0x69: {  	_ =	swait.ge [sflag:s14], $0xD000;
	(pc) =	sbr.rel @!p0 .LBB2_2-.Ltmp0, $4  }
0x6a: {  	[sflag:s14] =	ssyncset.done $0x0  }
0x6b: {  	[sflag:s14] =	ssyncadd.s32 $0xFFFF3000  }
0x6c: {  	_ =	swait.ge [sflag:s18], $0xD000  }
0x6d: {  	s30 =	sadd.s32 $0xFFFFFFFF, s1;
	[sflag:s18] =	ssyncset.done $0x0  }
.LBB2_1:
0x6e: {  	p0 =	sne.s32 s30, $0x1;
	s30 =	sadd.s32 $0xFFFFFFFF, s30;
	[sflag:s18] =	ssyncadd.s32 $0xFFFF3000  }
0x6f: {  	[tilespmem:s2], [sflag:$0x1] =	stream.linear.gather [hbm4b:s3+s2], $0x680, $0x38;
	[tilespmem:$0x1AD00] =	vst v63  }
0x70: {  	_ = 	snop  }
0x71: {  	[tilespmem:s5], [sflag:$0x2] =	stream.linear.gather [hbm4b:s4+s2], $0x680, $0x38;
	[tilespmem:$0x1AD00] =	vst v63  }
0x72: {  	_ =	swait.ge [sflag:s6], $0x680  }
0x73: {  	[sflag:s6] =	ssyncset.done $0x0  }
0x74: {  	[sflag:s6] =	ssyncadd.s32 $0xFFFFF980  }
0x75: {  	[tilespmem:s8], [sflag:$0x3] =	stream.indirect.gather [hbm4b:s7+s5], $0x20, s2, s5, $0xb8;
	[tilespmem:$0x1AD00] =	vst v63  }
0x76: {  	_ =	swait.ge [sflag:s9], $0x680  }
0x77: {  	[sflag:s9] =	ssyncset.done $0x0  }
0x78: {  	[sflag:s9] =	ssyncadd.s32 $0xFFFFF980  }
0x79: {  	[tilespmem:s10], [sflag:$0x4] =	stream.indirect.gather [hbm4b:s7+s5], $0x20, s5, s5, $0xb8;
	[tilespmem:$0x1AD00] =	vst v63  }
0x7a: {  	_ =	swait.ge [sflag:s11], $0xD000  }
0x7b: {  	[sflag:s11] =	ssyncset.done $0x0  }
0x7c: {  	[sflag:s11] =	ssyncadd.s32 $0xFFFF3000  }
0x7d: {  	[hbm4b:s12+s2] =	stream.linear.scatter [tilespmem:s8], [sflag:$0x5], $0xD000, $0x38;
	[tilespmem:$0x1AD00] =	vst v63  }
0x7e: {  	_ = 	snop  }
0x7f: {  	[tilespmem:s2], [sflag:$0x1] =	stream.linear.gather [hbm4b:s13+s2], $0x680, $0x38;
	[tilespmem:$0x1AD00] =	vst v63  }
0x80: {  	_ =	swait.ge [sflag:s6], $0x680  }
0x81: {  	[sflag:s6] =	ssyncset.done $0x0  }
0x82: {  	[sflag:s6] =	ssyncadd.s32 $0xFFFFF980  }
0x83: {  	_ =	swait.ge [sflag:s14], $0xD000  }
0x84: {  	[sflag:s14] =	ssyncset.done $0x0  }
0x85: {  	[sflag:s14] =	ssyncadd.s32 $0xFFFF3000  }
0x86: {  	[tilespmem:s8], [sflag:$0x3] =	stream.indirect.gather [hbm4b:s7+s5], $0x20, s2, s5, $0xb8;
	[tilespmem:$0x1AD00] =	vst v63  }
0x87: {  	_ =	swait.ge [sflag:s15], $0xD000  }
0x88: {  	[sflag:s15] =	ssyncset.done $0x0  }
0x89: {  	[sflag:s15] =	ssyncadd.s32 $0xFFFF3000  }
0x8a: {  	[hbm4b:s16+s2] =	stream.linear.scatter [tilespmem:s10], [sflag:$0x6], $0xD000, $0x38;
	[tilespmem:$0x1AD00] =	vst v63  }
0x8b: {  	_ = 	snop  }
0x8c: {  	[tilespmem:s5], [sflag:$0x2] =	stream.linear.gather [hbm4b:s17+s2], $0x680, $0x38;
	[tilespmem:$0x1AD00] =	vst v63  }
0x8d: {  	_ =	swait.ge [sflag:s9], $0x680  }
0x8e: {  	[sflag:s9] =	ssyncset.done $0x0  }
0x8f: {  	[sflag:s9] =	ssyncadd.s32 $0xFFFFF980  }
0x90: {  	_ =	swait.ge [sflag:s18], $0xD000  }
0x91: {  	[sflag:s18] =	ssyncset.done $0x0  }
0x92: {  	[sflag:s18] =	ssyncadd.s32 $0xFFFF3000  }
0x93: {  	[tilespmem:s10], [sflag:$0x4] =	stream.indirect.gather [hbm4b:s7+s5], $0x20, s5, s5, $0xb8;
	[tilespmem:$0x1AD00] =	vst v63  }
0x94: {  	_ =	swait.ge [sflag:s11], $0xD000  }
0x95: {  	[sflag:s11] =	ssyncset.done $0x0  }
0x96: {  	[sflag:s11] =	ssyncadd.s32 $0xFFFF3000  }
0x97: {  	[hbm4b:s19+s2] =	stream.linear.scatter [tilespmem:s8], [sflag:$0x5], $0xD000, $0x38;
	[tilespmem:$0x1AD00] =	vst v63  }
0x98: {  	_ = 	snop  }
0x99: {  	[tilespmem:s2], [sflag:$0x1] =	stream.linear.gather [hbm4b:s20+s2], $0x680, $0x38;
	[tilespmem:$0x1AD00] =	vst v63  }
0x9a: {  	_ =	swait.ge [sflag:s6], $0x680  }
0x9b: {  	[sflag:s6] =	ssyncset.done $0x0  }
0x9c: {  	[sflag:s6] =	ssyncadd.s32 $0xFFFFF980  }
0x9d: {  	_ =	swait.ge [sflag:s14], $0xD000  }
0x9e: {  	[sflag:s14] =	ssyncset.done $0x0  }
0x9f: {  	[sflag:s14] =	ssyncadd.s32 $0xFFFF3000  }
0xa0: {  	[tilespmem:s8], [sflag:$0x3] =	stream.indirect.gather [hbm4b:s7+s5], $0x20, s2, s5, $0xb8;
	[tilespmem:$0x1AD00] =	vst v63  }
0xa1: {  	_ =	swait.ge [sflag:s15], $0xD000  }
0xa2: {  	[sflag:s15] =	ssyncset.done $0x0  }
0xa3: {  	[sflag:s15] =	ssyncadd.s32 $0xFFFF3000  }
0xa4: {  	[hbm4b:s21+s2] =	stream.linear.scatter [tilespmem:s10], [sflag:$0x6], $0xD000, $0x38;
	[tilespmem:$0x1AD00] =	vst v63  }
0xa5: {  	_ = 	snop  }
0xa6: {  	[tilespmem:s5], [sflag:$0x2] =	stream.linear.gather [hbm4b:s22+s2], $0x680, $0x38;
	[tilespmem:$0x1AD00] =	vst v63  }
0xa7: {  	_ =	swait.ge [sflag:s9], $0x680  }
0xa8: {  	[sflag:s9] =	ssyncset.done $0x0  }
0xa9: {  	[sflag:s9] =	ssyncadd.s32 $0xFFFFF980  }
0xaa: {  	_ =	swait.ge [sflag:s18], $0xD000  }
0xab: {  	[sflag:s18] =	ssyncset.done $0x0  }
0xac: {  	[sflag:s18] =	ssyncadd.s32 $0xFFFF3000  }
0xad: {  	[tilespmem:s10], [sflag:$0x4] =	stream.indirect.gather [hbm4b:s7+s5], $0x20, s5, s5, $0xb8;
	[tilespmem:$0x1AD00] =	vst v63  }
0xae: {  	_ =	swait.ge [sflag:s11], $0xD000  }
0xaf: {  	[sflag:s11] =	ssyncset.done $0x0  }
0xb0: {  	[sflag:s11] =	ssyncadd.s32 $0xFFFF3000  }
0xb1: {  	[hbm4b:s23+s2] =	stream.linear.scatter [tilespmem:s8], [sflag:$0x5], $0xD000, $0x38;
	[tilespmem:$0x1AD00] =	vst v63  }
0xb2: {  	_ = 	snop  }
0xb3: {  	[tilespmem:s2], [sflag:$0x1] =	stream.linear.gather [hbm4b:s24+s2], $0x680, $0x38;
	[tilespmem:$0x1AD00] =	vst v63  }
0xb4: {  	_ =	swait.ge [sflag:s6], $0x680  }
0xb5: {  	[sflag:s6] =	ssyncset.done $0x0  }
0xb6: {  	[sflag:s6] =	ssyncadd.s32 $0xFFFFF980  }
0xb7: {  	_ =	swait.ge [sflag:s14], $0xD000  }
0xb8: {  	[sflag:s14] =	ssyncset.done $0x0  }
0xb9: {  	[sflag:s14] =	ssyncadd.s32 $0xFFFF3000  }
0xba: {  	[tilespmem:s8], [sflag:$0x3] =	stream.indirect.gather [hbm4b:s7+s5], $0x20, s2, s5, $0xb8;
	[tilespmem:$0x1AD00] =	vst v63  }
0xbb: {  	_ =	swait.ge [sflag:s15], $0xD000  }
0xbc: {  	[sflag:s15] =	ssyncset.done $0x0  }
0xbd: {  	[sflag:s15] =	ssyncadd.s32 $0xFFFF3000  }
0xbe: {  	[hbm4b:s25+s2] =	stream.linear.scatter [tilespmem:s10], [sflag:$0x6], $0xD000, $0x38;
	[tilespmem:$0x1AD00] =	vst v63  }
0xbf: {  	_ = 	snop  }
0xc0: {  	[tilespmem:s5], [sflag:$0x2] =	stream.linear.gather [hbm4b:s26+s2], $0x680, $0x38;
	[tilespmem:$0x1AD00] =	vst v63  }
0xc1: {  	_ =	swait.ge [sflag:s9], $0x680  }
0xc2: {  	[sflag:s9] =	ssyncset.done $0x0  }
0xc3: {  	[sflag:s9] =	ssyncadd.s32 $0xFFFFF980  }
0xc4: {  	_ =	swait.ge [sflag:s18], $0xD000  }
0xc5: {  	[sflag:s18] =	ssyncset.done $0x0  }
0xc6: {  	[sflag:s18] =	ssyncadd.s32 $0xFFFF3000  }
0xc7: {  	[tilespmem:s10], [sflag:$0x4] =	stream.indirect.gather [hbm4b:s7+s5], $0x20, s5, s5, $0xb8;
	[tilespmem:$0x1AD00] =	vst v63  }
0xc8: {  	_ =	swait.ge [sflag:s11], $0xD000  }
0xc9: {  	[sflag:s11] =	ssyncset.done $0x0  }
0xca: {  	[sflag:s11] =	ssyncadd.s32 $0xFFFF3000  }
0xcb: {  	[hbm4b:s28+s2] =	stream.linear.scatter [tilespmem:s8], [sflag:$0x5], $0xD000, $0x38;
	[tilespmem:$0x1AD00] =	vst v63  }
0xcc: {  	_ =	swait.ge [sflag:s15], $0xD000  }
0xcd: {  	[sflag:s15] =	ssyncset.done $0x0  }
0xce: {  	[sflag:s15] =	ssyncadd.s32 $0xFFFF3000  }
0xcf: {  	[hbm4b:s29+s2] =	stream.linear.scatter [tilespmem:s10], [sflag:$0x6], $0xD000, $0x38;
	[tilespmem:$0x1AD00] =	vst v63  }
.Ltmp1:
0xd0: {  	_ =	swait.ge [sflag:s14], $0xD000;
	(pc) =	sbr.rel @p0 .LBB2_1-.Ltmp1, $4  }
0xd1: {  	[sflag:s14] =	ssyncset.done $0x0  }
0xd2: {  	[sflag:s14] =	ssyncadd.s32 $0xFFFF3000  }
0xd3: {  	_ =	swait.ge [sflag:s18], $0xD000  }
0xd4: {  	[sflag:s18] =	ssyncset.done $0x0  }
.LBB2_2:
0xd5: {  	[sflag:s18] =	ssyncadd.s32 $0xFFFF3000  }
0xd6: {  	_ =	sfence.sel $0x180000  }
0xd7: {  	[bflag:$0x0] =	sbarrier.arrive $0xFFFF  }
0xd8: {  	_ =	strace $0x9000004A  }
0xd9: {  	[bflag:$0x2] =	sbarrier.arrive $0xFFFF  }
0xda: {  	p0 =	sne.s32 s0, $0x0;
	s0 =	rddreg [dreg:$0x2]  }
0xdb: {  	s0 =	sadd.s32 @!p0 $0x100000, s0  }
0xdc: {  	[sflag:s0] =	ssyncadd.tile.s32 @!p0 $0x1;
	_ =	shalt  }
.Lfunc_end2:
_tile_overlayer_lowered:
.L_overlay_start_2:
0xdd: {  	(tag) =	ssettag $0x2  }
0xde: {  	s0 =	rddreg [dreg:$0x0];
	s2 =	stileid.u32  }
0xdf: {  	s1 =	rddreg [dreg:$0x1];
	p0 =	sne.s32 s2, $0x0  }
0xe0: {  	s3 =	rddreg [dreg:$0x2];
	[bflag:$0x3] =	sbarrier.arrive $0xFFFF;
	s2 =	simm.s32 @!p0 $0x1C07  }
0xe1: {  	[timem:s3], [sflag:s2] =	dma.local @!p0 [hbm:s0], s1  }
0xe2: {  	s0 =	simm.s32 @!p0 $0x7  }
0xe3: {  	_ =	swait.ge @!p0 [sflag:s0], s1  }
0xe4: {  	s1 =	ssub.s32 @!p0 $0x0, s1;
	[sflag:s0] =	ssyncset.done @!p0 $0x0  }
0xe5: {  	[sflag:s0] =	ssyncadd.s32 @!p0 s1  }
0xe6: {  	[bflag:$0x3] =	sbarrier.arrive $0xFFFF  }
0xe7: {  	_ =	shalt  }

// kernel: sparse-core-data-format-call.1.cloned.1.call-start
scs
called_computation.1_lowered:
.L_overlay_start_0:
0x0: {  	s2 =	sld [smem:$0x3FD9]  }
0x1: {  	s3 =	sld [smem:$0x3FFE];
	_ =	sdelay $0x1  }
0x2: {  	s1 =	srdreg.scid  }
0x3: {  	s0 =	sand.u32 $0x1, s1  }
0x4: {  	s18 =	sshll.u32 s0, $0xA;
	s2 =	sadd.s32 s3, s2  }
0x5: {  	s2 =	sadd.s32 s2, s18  }
0x6: {  	[smem:$0x3FC6] =	sst s2  }
0x7: {  	_ = 	snop  }
0x8: {  	s2 =	sld [smem:$0x3FC8];
	(tm) =	ssettm $0x1  }
0x9: {  	s19 =	sld [smem:$0x3FFB];
	_ =	sdelay $0x3  }
0xa: {  	_ =	strace s19  }
0xb: {  	s3 =	sld [smem:$0x3FFC];
	_ =	sdelay $0x3  }
0xc: {  	_ =	strace s3  }
0xd: {  	s3 =	sld [smem:$0x3FFD];
	_ =	sdelay $0x3  }
0xe: {  	_ =	strace s3  }
0xf: {  	_ =	strace $0x8FFFFFFF  }
0x10: {  	s20 =	sld [smem:$0x3FDB];
	_ =	sdelay $0x1  }
0x11: {  	s4 =	simm.s32 $_scs_section_size  }
0x12: {  	s5 =	simm.s32 $_size__tile_overlayer_lowered;
	s6 =	simm.s32 $_tile_overlayer_lowered  }
0x13: {  	s23 =	simm.s32 $0x1BFF;
	s22 =	sshll.u32 s6, $0x1;
	s3 =	sadd.s32 s4, s20  }
0x14: {  	s7 =	simm.s32 $0x0;
	s21 =	sshll.u32 s5, $0x1;
	s5 =	sadd.s32 s22, s3  }
0x15: {  	[timem:s7], [sflag:s23] =	dma.local [hbm:s5], s21  }
0x16: {  	_ =	swait.ge [sflag:s23], s21  }
0x17: {  	s4 =	ssub.s32 $0x0, s21;
	[sflag:s23] =	ssyncset.done $0x0  }
0x18: {  	[sflag:s23] =	ssyncadd.s32 s4;
	_ =	sdelay $0x1  }
0x19: {  	s24 =	simm.s32 $0x1B8B  }
0x1a: {  	_ =	swait.ge [sflag:s24], $0x1  }
0x1b: {  	[sflag:s24] =	ssyncset.done $0x0  }
0x1c: {  	s26 =	simm.s32 $0x1B8E;
	s25 =	sld [smem:$0x3FFE];
	[sflag:s24] =	ssyncadd.s32 $0xFFFFFFFF  }
0x1d: {  	s27 =	simm.s32 $execute0_lowered;
	[smem:$0x3FD2] =	sst s26  }
0x1e: {  	s5 =	sshll.u32 s27, $0x1;
	_ =	strace $0x80000046;
	[dreg:$0x1] =	wrdreg $0xFFFFFFFF  }
0x1f: {  	s28 =	simm.s32 $_size_execute0_lowered;
	s3 =	sadd.s32 s3, s5;
	[dreg:$0x0] =	wrdreg $0x0  }
0x20: {  	s5 =	sshll.u32 s28, $0x1;
	[dreg:$0x2] =	wrdreg s3  }
0x21: {  	[dreg:$0x3] =	wrdreg s5  }
0x22: {  	[dreg:$0x4] =	wrdreg $0xC0  }
0x23: {  	_ =	task [dreg:s7], $0x5FFFF  }
0x24: {  	[dreg:$0x1] =	wrdreg $0xFFFFFFFF  }
0x25: {  	[dreg:$0x0] =	wrdreg $0x60  }
0x26: {  	[dreg:$0x2] =	wrdreg s2  }
0x27: {  	[dreg:$0x3] =	wrdreg s25  }
0x28: {  	[dreg:$0x4] =	wrdreg $0x9  }
0x29: {  	_ =	task.clear_ibuf [dreg:s7], $0x5FFFF;
	_ =	strace $0x90000046  }
0x2a: {  	s29 =	simm.s32 $0x9;
	_ =	strace $0x80000048  }
0x2b: {  	_ =	swait.ge [sflag:s29], $0x1  }
0x2c: {  	[sflag:s29] =	ssyncadd.s32 $0xFFFFFFFF  }
0x2d: {  	_ =	strace $0x90000048  }
0x2e: {  	_ =	sfence  }
0x2f: {  	s30 =	sld [smem:$0x0];
	_ =	sdelay $0x2  }
0x30: {  	s31 =	sshll.u32 s1, $0xD;
	s1 =	sshrl.u32 s1, $0x2  }
0x31: {  	s3 =	sand.u32 $0x4000, s31;
	s1 =	sadd.s32 s1, s30  }
0x32: {  	s0 =	sor.u32 s3, s0;
	s1 =	sshll.u32 s1, $0x11  }
0x33: {  	s0 =	sor.u32 s1, s0  }
0x34: {  	s0 =	sadd.s32 $0x8F2B, s0  }
0x35: {  	[sflag:s0] =	ssyncadd.remote.s32 $0x1  }
0x36: {  	_ =	sfence.sel $0xFFFF  }
0x37: {  	[dreg:$0x0] =	wrdreg $0xFFFFFFFF;
	(pc) =	sbr.abs _section_cstart, $3  }
0x38: {  	[dreg:$0x1] =	wrdreg $0xFFFFFFFF  }
0x39: {  	_ =	task.clear_ibuf [dreg:s7], $0x2FFFF;
	_ =	strace $0x9FFFFFFF  }
0x3a: {  	(tm) =	ssettm $0x7FFFFFFF  }
0x3b: {  	_ =	shalt  }
tec
execute0_lowered:
.L_overlay_start_1:
0x0: {  	(tag) =	ssettag $0x1  }
0x1: {  	s0 =	srdreg.scid;
	s2 =	rddreg [dreg:$0x0]  }
0x2: {  	s5 =	rddreg [dreg:$0x1];
	s1 =	stileid.u32  }
0x3: {  	s4 =	simm.s32 $0x1;
	s6 =	simm.s32 $0x2;
	s15 =	simm.s32 $0x0  }
0x4: {  	p0 =	por $0x0, $0x0;
	s8 =	simm.s32 $0x80;
	s0 =	sshll.u32 s0, $0x4  }
0x5: {  	s14 =	simm.s32 $0x0;
	s9 =	simm.s32 $0x0;
	s3 =	sand.u32 $0x10, s0  }
.Ltmp0:
0x6: {  	s10 =	simm.s32 $0x0;
	s3 =	sor.u32 s1, s3;
	(pc) =	sbr.rel .LBB1_1-.Ltmp0, $4  }
0x7: {  	s0 =	rddreg [dreg:$0x2];
	_ =	strace $0x80000047;
	s3 =	sshll.u32 s3, $0x7  }
0x8: {  	s12 =	simm.s32 $0x0;
	[sflag:s4] =	ssyncpa.u1 $0x0;
	s7 =	ssub.s32 $0xF4200, s3  }
0x9: {  	s13 =	simm.s32 $0x0;
	[sflag:s6] =	ssyncpa.u1 $0x0;
	s6 =	sshrl.u32 s7, $0xC  }
0xa: {  	s5 =	sadd.s32 $0xE00, s5;
	s11 =	smov.u32 s3;
	s7 =	sadd.s32 $0x2, s6  }
.LBB1_5:
0xb: {  	p1 =	slt.u32 s13, $0x2  }
0xc: {  	s17 =	smov.u32 s15;
	p2 =	sgt.s32 @!p1 s15, $0xF41C0;
	s16 =	sshra.s32 @!p1 s15, $0x1F  }
0xd: {  	p3 =	sgt.s32 @!p1 s14, $0x60;
	s18 =	sshra.s32 @!p1 s14, $0x1F;
	p2 =	por !p2, p1  }
0xe: {  	s15 =	sand.u32 @!p1 s16, s15;
	p3 =	por !p3, p1;
	s16 =	smov.u32 s14  }
0xf: {  	s14 =	sand.u32 @!p1 s18, s14;
	s17 =	simm.s32 @p2 $0xF41C0;
	s16 =	simm.s32 @p3 $0x60  }
0x10: {  	s15 =	ssub.s32 @!p1 s17, s15;
	s14 =	ssub.s32 @!p1 s16, s14  }
0x11: {  	s18 =	smov.u32 s12;
	s16 =	sadd.s32 @!p1 $0xFFF0BE40, s15;
	s17 =	sadd.s32 @!p1 $0xFFFFFFA0, s14  }
0x12: {  	s15 =	ssub.s32 @!p1 $0xF4240, s15;
	p2 =	sgt.s32 @!p1 s16, $0x7F;
	p3 =	sgt.s32 @!p1 s17, $0x1F  }
0x13: {  	s14 =	ssub.s32 @!p1 $0x80, s14;
	p2 =	por !p2, p1;
	p3 =	por !p3, p1  }
0x14: {  	s16 =	sadd.s32 $0x1000, s11;
	s15 =	simm.s32 @!p2 $0x0;
	s14 =	simm.s32 @!p3 $0x0  }
0x15: {  	p2 =	sgt.s32 s16, $0xF423F;
	s14 =	smul.u32 @!p1 s14, s15;
	s15 =	sadd.s32 $0x20, s12  }
0x16: {  	s18 =	smov.u32 @p2 s15  }
0x17: {  	s16 =	smov.u32 @p2 s3;
	p2 =	sgt.s32 s18, $0x1F  }
0x18: {  	s18 =	simm.s32 @p2 $0x0;
	p2 =	sne.s32 s13, s7  }
.Ltmp1:
0x19: {  	p0 =	por !p0, !p0;
	s17 =	simm.s32 @!p1 $0x2;
	(pc) =	sbr.rel @!p2 .LBB1_6-.Ltmp1, $4  }
0x1a: {  	s15 =	smov.u32 s9;
	s9 =	smov.u32 s11;
	s14 =	sand.u32 @!p1 $0x3FFFFFFF, s14  }
0x1b: {  	s11 =	smov.u32 s16;
	_ =	swait.ge @!p1 [sflag:s17], s14;
	s19 =	ssub.s32 @!p1 $0x0, s14  }
0x1c: {  	s14 =	smov.u32 s10;
	s13 =	sadd.s32 $0x1, s13;
	[sflag:s17] =	ssyncset.done @!p1 $0x0  }
0x1d: {  	s10 =	smov.u32 s12;
	s12 =	smov.u32 s18;
	[sflag:s17] =	ssyncadd.s32 @!p1 s19  }
.LBB1_1:
0x1e: {  	p1 =	sgt.u32 s13, s6  }
0x1f: {  	s16 =	sshrl.u32 @!p1 s12, $0x3  }
0x20: {  	s17 =	sshll.u32 @!p1 s11, $0x3;
	s16 =	smul.u32 @!p1 $0x7A1400, s16  }
0x21: {  	s18 =	sshll.u32 @!p1 s12, $0x7;
	s17 =	sand.u32 @!p1 $0xFFFFFC00, s17  }
0x22: {  	s16 =	sadd.s32 @!p1 s16, s17;
	s17 =	sand.u32 @!p1 $0x380, s18  }
0x23: {  	s18 =	sand.u32 @!p1 $0x7F, s11;
	s16 =	sor.u32 @!p1 s17, s16  }
0x24: {  	s17 =	sor.u32 @!p1 s18, s16  }
0x25: {  	s18 =	smulhi.u32 @!p1 $0x218D6287, s17;
	_ =	sdelay $0x1  }
0x26: {  	s16 =	smulhi.u32 @!p1 $0x218D6287, s16;
	s18 =	sshrl.u32 @!p1 s18, $0x11  }
0x27: {  	s18 =	smul.u32 @!p1 $0xF4280, s18  }
0x28: {  	s19 =	sxor.u32 @!p1 $0xFFFFFFFF, s13;
	s16 =	sshrl.u32 @!p1 s16, $0x11  }
0x29: {  	s19 =	sshll.u32 @!p1 s19, $0xC;
	s16 =	sand.u32 @!p1 $0x1F, s16;
	s17 =	ssub.s32 @!p1 s17, s18  }
0x2a: {  	s16 =	smul.u32 @!p1 $0x1E850, s16;
	s18 =	sshrl.u32 @!p1 s17, $0x3;
	s17 =	sand.u32 @!p1 $0x7, s17  }
0x2b: {  	s19 =	sand.u32 @!p1 $0x1000, s19;
	s18 =	sadd.s32 @!p1 s2, s18;
	s17 =	sshll.u32 @!p1 s17, $0x12  }
0x2c: {  	s16 =	sadd.s32 @!p1 s16, s18;
	s17 =	sor.u32 @!p1 $0x400, s17;
	s18 =	simm.s32 @!p1 $0x7A1400  }
0x2d: {  	[tilespmem:s19], [sflag:$0x1] =	stream.strided.gather @!p1 [hbm4b:s16+s17], $0x1000, s18, s17, $0x38;
	[tilespmem:$0x4100] =	vst v63  }
0x2e: {  	p1 =	seq.s32 s13, $0x0  }
0x2f: {  	p2 =	sge.u32 @!p1 s13, s7  }
0x30: {  	p1 =	por p1, p2  }
.Ltmp2:
0x31: {  	_ = 	snop;
	(pc) =	sbr.rel @p1 .LBB1_5-.Ltmp2, $1  }
0x32: {  	_ =	sdelay $0x3  }
0x33: {  	s16 =	simm.s32 $0x1  }
0x34: {  	_ =	swait.ge [sflag:s4], $0x1000;
	s16 =	simm.s32 @!p0 $0x0  }
0x35: {  	[sflag:s4] =	ssyncset.done $0x0;
	s17 =	sshll.u32 s16, $0xC  }
0x36: {  	[sflag:s4] =	ssyncadd.s32 $0xFFFFF000;
	s17 =	sor.u32 $0x40, s17  }
0x37: {  	s16 =	smul.u32 $0x4200, s16;
	v0 =	vld [tilespmem:s17+$0x30]  }
0x38: {  	v1 =	vld [tilespmem:s17+$0xFFFFFFD0]  }
0x39: {  	s16 =	sshrl.u32 s16, $0x2;
	v5 =	vld [tilespmem:s17+$0xFFFFFFE0]  }
0x3a: {  	v6 =	vld [tilespmem:s17+$0xFFFFFFF0];
	s19 =	sor.u32 $0x2000, s16  }
0x3b: {  	s31 =	sand.u32 $0x1, s13;
	v4 =	vld [tilespmem:s17+$0x0];
	s18 =	sadd.s32 $0x0, s19  }
0x3c: {  	v3 =	vld [tilespmem:s17+$0x10];
	s16 =	smul.u32 $0x4200, s31;
	[tilespmem:s18+$0xE70 ss:$0x21] =	vst.msk $0xffff, v0  }
0x3d: {  	v2 =	vld [tilespmem:s17+$0x20];
	[tilespmem:s18+$0x210 ss:$0x21] =	vst.msk $0xffff, v1  }
0x3e: {  	s16 =	sshrl.u32 s16, $0x2;
	v1 =	vld [tilespmem:s17+$0xFFFFFFC0];
	[tilespmem:s18+$0x420 ss:$0x21] =	vst.msk $0xffff, v5;
	s17 =	sadd.s32 $0x80, s17  }
0x3f: {  	s20 =	simm.s32 $0x4;
	s21 =	simm.s32 $0x8;
	s16 =	sor.u32 $0x2000, s16;
	[tilespmem:s18+$0x630 ss:$0x21] =	vst.msk $0xffff, v6;
	v0 =	vld [tilespmem:s17+$0x30]  }
.LBB1_3:
0x40: {  	p1 =	sne.s32 s21, $0x7C;
	v5 =	vld [tilespmem:s17+$0xFFFFFFD0];
	[tilespmem:s18+$0x840 ss:$0x21] =	vst.msk $0xffff, v4  }
0x41: {  	v6 =	vld [tilespmem:s17+$0xFFFFFFE0];
	[tilespmem:s18+$0xA50 ss:$0x21] =	vst.msk $0xffff, v3  }
0x42: {  	s22 =	sshra.s32 s20, $0x2;
	s20 =	smov.u32 s21;
	v7 =	vld [tilespmem:s17+$0xFFFFFFF0];
	[tilespmem:s18+$0xC60 ss:$0x21] =	vst.msk $0xffff, v2  }
.Ltmp3:
0x43: {  	v4 =	vld [tilespmem:s17+$0x0];
	[tilespmem:s18+$0x0 ss:$0x21] =	vst.msk $0xffff, v1;
	s18 =	sadd.s32 s22, s19;
	(pc) =	sbr.rel @p1 .LBB1_3-.Ltmp3, $4  }
0x44: {  	v3 =	vld [tilespmem:s17+$0x10];
	[tilespmem:s18+$0xE70 ss:$0x21] =	vst.msk $0xffff, v0  }
0x45: {  	[tilespmem:s18+$0x210 ss:$0x21] =	vst.msk $0xffff, v5;
	v2 =	vld [tilespmem:s17+$0x20]  }
0x46: {  	v1 =	vld [tilespmem:s17+$0xFFFFFFC0];
	[tilespmem:s18+$0x420 ss:$0x21] =	vst.msk $0xffff, v6;
	s17 =	sadd.s32 $0x80, s17  }
0x47: {  	s21 =	sadd.s32 $0x4, s21;
	v0 =	vld [tilespmem:s17+$0x30];
	[tilespmem:s18+$0x630 ss:$0x21] =	vst.msk $0xffff, v7  }
0x48: {  	s21 =	sshll.u32 s9, $0x7;
	s22 =	sshll.u32 s10, $0x3;
	s20 =	sshra.s32 s20, $0x2  }
0x49: {  	p1 =	sgt.s32 s9, $0xF41C0;
	s30 =	sshra.s32 s9, $0x1F;
	s25 =	sshra.s32 s10, $0x1F  }
0x4a: {  	v5 =	vld [tilespmem:s17+$0xFFFFFFD0];
	s28 =	sshrl.u32 s10, $0x3;
	s23 =	sand.u32 $0xFFFFFC00, s21;
	s22 =	sand.u32 $0xFFFFFC00, s22  }
0x4b: {  	[tilespmem:s18+$0x840 ss:$0x21] =	vst.msk $0xffff, v4;
	v58 =	vld [tilespmem:s17+$0xFFFFFFE0];
	s21 =	sand.u32 $0x380, s21;
	s19 =	sadd.s32 s20, s19;
	s22 =	sadd.s32 s22, s23  }
0x4c: {  	v59 =	vld [tilespmem:s17+$0xFFFFFFF0];
	[tilespmem:s18+$0xA50 ss:$0x21] =	vst.msk $0xffff, v3;
	s29 =	sor.u32 s21, s22;
	s21 =	smov.u32 s9;
	s22 =	sand.u32 s30, s9  }
0x4d: {  	v60 =	vld [tilespmem:s17+$0x0];
	[tilespmem:s18+$0xC60 ss:$0x21] =	vst.msk $0xffff, v2;
	s30 =	sand.u32 $0x7, s10;
	s20 =	sshrl.u32 s29, $0x7;
	s21 =	simm.s32 @!p1 $0xF41C0  }
0x4e: {  	v61 =	vld [tilespmem:s17+$0x10];
	[tilespmem:s18+$0x0 ss:$0x21] =	vst.msk $0xffff, v1;
	p1 =	sgt.s32 s10, $0x60;
	s24 =	ssub.s32 s21, s22;
	s21 =	smov.u32 s10  }
0x4f: {  	v62 =	vld [tilespmem:s17+$0x20];
	[tilespmem:s19+$0xE70 ss:$0x21] =	vst.msk $0xffff, v0;
	s31 =	smulhi.u32 $0x218DEF5, s20;
	s22 =	sand.u32 s25, s10;
	s21 =	simm.s32 @!p1 $0x60  }
0x50: {  	v63 =	vld [tilespmem:s17+$0xFFFFFFC0];
	[tilespmem:s19+$0x210 ss:$0x21] =	vst.msk $0xffff, v5;
	s26 =	sadd.s32 $0xFFF0BE40, s24;
	s17 =	ssub.s32 $0xF4240, s24;
	s21 =	ssub.s32 s21, s22  }
0x51: {  	[tilespmem:s19+$0x420 ss:$0x21] =	vst.msk $0xffff, v58;
	s23 =	sshrl.u32 s31, $0xD;
	p1 =	sgt.s32 s26, $0x7F;
	s27 =	sadd.s32 $0xFFFFFFA0, s21  }
0x52: {  	[tilespmem:s19+$0x630 ss:$0x21] =	vst.msk $0xffff, v59;
	s23 =	smul.u32 $0xF4240, s23;
	s18 =	ssub.s32 $0x80, s21;
	p2 =	sgt.s32 s27, $0x1F  }
.Ltmp4:
0x53: {  	[tilespmem:s19+$0x840 ss:$0x21] =	vst.msk $0xffff, v60;
	s17 =	simm.s32 @p1 $0x0;
	s18 =	simm.s32 @p2 $0x0;
	(pc) =	sbr.rel .LBB1_5-.Ltmp4, $4  }
0x54: {  	s29 =	sand.u32 $0xF, s28;
	[tilespmem:s19+$0xA50 ss:$0x21] =	vst.msk $0xffff, v61;
	s20 =	ssub.s32 s20, s23;
	s17 =	smul.u32 s18, s17  }
0x55: {  	[tilespmem:s19+$0xC60 ss:$0x21] =	vst.msk $0xffff, v62;
	s21 =	sshll.u32 s30, $0x12;
	s20 =	sshll.u32 s20, $0x4;
	s18 =	sadd.s32 s5, s29  }
0x56: {  	[tilespmem:s19+$0x0 ss:$0x21] =	vst.msk $0xffff, v63;
	s31 =	sor.u32 $0x20, s21;
	s18 =	sadd.s32 s20, s18;
	s17 =	sand.u32 $0x3FFFFFFF, s17  }
0x57: {  	[hbm4b:s18+s31] =	stream.strided.scatter [tilespmem:s16], [sflag:$0x2], s17, s8, s31, $0x10;
	[tilespmem:$0x4100] =	vst v63  }
.LBB1_6:
0x58: {  	_ =	sfence.sel $0x180000  }
0x59: {  	s2 =	simm.s32 $0x1;
	[bflag:$0x0] =	sbarrier.arrive $0xFFFF  }
0x5a: {  	s31 =	simm.s32 $0x2;
	[sflag:s2] =	ssyncpa.u1 $0x1  }
0x5b: {  	[sflag:s31] =	ssyncpa.u1 $0x1  }
0x5c: {  	p0 =	sne.s32 s1, $0x0;
	_ =	strace $0x90000047  }
0x5d: {  	s0 =	sadd.s32 @!p0 $0x100000, s0;
	[bflag:$0x2] =	sbarrier.arrive $0xFFFF  }
0x5e: {  	[sflag:s0] =	ssyncadd.tile.s32 @!p0 $0x1;
	_ =	shalt  }
.Lfunc_end1:
_tile_overlayer_lowered:
.L_overlay_start_2:
0x5f: {  	(tag) =	ssettag $0x2  }
0x60: {  	s0 =	rddreg [dreg:$0x0];
	s2 =	stileid.u32  }
0x61: {  	s1 =	rddreg [dreg:$0x1];
	p0 =	sne.s32 s2, $0x0  }
0x62: {  	s3 =	rddreg [dreg:$0x2];
	[bflag:$0x3] =	sbarrier.arrive $0xFFFF;
	s2 =	simm.s32 @!p0 $0x1C01  }
0x63: {  	[timem:s3], [sflag:s2] =	dma.local @!p0 [hbm:s0], s1  }
0x64: {  	s0 =	simm.s32 @!p0 $0x1  }
0x65: {  	_ =	swait.ge @!p0 [sflag:s0], s1  }
0x66: {  	s1 =	ssub.s32 @!p0 $0x0, s1;
	[sflag:s0] =	ssyncset.done @!p0 $0x0  }
0x67: {  	[sflag:s0] =	ssyncadd.s32 @!p0 s1  }
0x68: {  	[bflag:$0x3] =	sbarrier.arrive $0xFFFF  }
0x69: {  	_ =	shalt  }

// kernel: sparse-core-data-format-call.cloned.1.call-start
scs
called_computation_lowered:
.L_overlay_start_0:
0x0: {  	s2 =	sld [smem:$0x3FD9]  }
0x1: {  	s3 =	sld [smem:$0x3FFE];
	_ =	sdelay $0x1  }
0x2: {  	s1 =	srdreg.scid  }
0x3: {  	s0 =	sand.u32 $0x1, s1  }
0x4: {  	s18 =	sshll.u32 s0, $0xA;
	s2 =	sadd.s32 s3, s2  }
0x5: {  	s2 =	sadd.s32 s2, s18  }
0x6: {  	[smem:$0x3FC6] =	sst s2  }
0x7: {  	_ = 	snop  }
0x8: {  	s2 =	sld [smem:$0x3FD0];
	(tm) =	ssettm $0x1  }
0x9: {  	s19 =	sld [smem:$0x3FFB];
	_ =	sdelay $0x3  }
0xa: {  	_ =	strace s19  }
0xb: {  	s3 =	sld [smem:$0x3FFC];
	_ =	sdelay $0x3  }
0xc: {  	_ =	strace s3  }
0xd: {  	s3 =	sld [smem:$0x3FFD];
	_ =	sdelay $0x3  }
0xe: {  	_ =	strace s3  }
0xf: {  	_ =	strace $0x8FFFFFFF  }
0x10: {  	s20 =	sld [smem:$0x3FDB];
	_ =	sdelay $0x1  }
0x11: {  	s4 =	simm.s32 $_scs_section_size  }
0x12: {  	s5 =	simm.s32 $_size__tile_overlayer_lowered;
	s6 =	simm.s32 $_tile_overlayer_lowered  }
0x13: {  	s23 =	simm.s32 $0x1BFF;
	s22 =	sshll.u32 s6, $0x1;
	s3 =	sadd.s32 s4, s20  }
0x14: {  	s7 =	simm.s32 $0x0;
	s21 =	sshll.u32 s5, $0x1;
	s5 =	sadd.s32 s22, s3  }
0x15: {  	[timem:s7], [sflag:s23] =	dma.local [hbm:s5], s21  }
0x16: {  	_ =	swait.ge [sflag:s23], s21  }
0x17: {  	s4 =	ssub.s32 $0x0, s21;
	[sflag:s23] =	ssyncset.done $0x0  }
0x18: {  	[sflag:s23] =	ssyncadd.s32 s4;
	_ =	sdelay $0x1  }
0x19: {  	s24 =	simm.s32 $0x1B8B  }
0x1a: {  	_ =	swait.ge [sflag:s24], $0x1  }
0x1b: {  	[sflag:s24] =	ssyncset.done $0x0  }
0x1c: {  	s26 =	simm.s32 $0x1B8E;
	s25 =	sld [smem:$0x3FFE];
	[sflag:s24] =	ssyncadd.s32 $0xFFFFFFFF  }
0x1d: {  	s27 =	simm.s32 $execute0_lowered;
	[smem:$0x3FD2] =	sst s26  }
0x1e: {  	s5 =	sshll.u32 s27, $0x1;
	_ =	strace $0x8000004C;
	[dreg:$0x1] =	wrdreg $0xFFFFFFFF  }
0x1f: {  	s28 =	simm.s32 $_size_execute0_lowered;
	s3 =	sadd.s32 s3, s5;
	[dreg:$0x0] =	wrdreg $0x0  }
0x20: {  	s5 =	sshll.u32 s28, $0x1;
	[dreg:$0x2] =	wrdreg s3  }
0x21: {  	[dreg:$0x3] =	wrdreg s5  }
0x22: {  	[dreg:$0x4] =	wrdreg $0xC0  }
0x23: {  	_ =	task [dreg:s7], $0x5FFFF  }
0x24: {  	[dreg:$0x1] =	wrdreg $0xFFFFFFFF  }
0x25: {  	[dreg:$0x0] =	wrdreg $0x60  }
0x26: {  	[dreg:$0x2] =	wrdreg s25  }
0x27: {  	[dreg:$0x3] =	wrdreg s2  }
0x28: {  	[dreg:$0x4] =	wrdreg $0x9  }
0x29: {  	_ =	task.clear_ibuf [dreg:s7], $0x5FFFF;
	_ =	strace $0x9000004C  }
0x2a: {  	s29 =	simm.s32 $0x9;
	_ =	strace $0x8000004E  }
0x2b: {  	_ =	swait.ge [sflag:s29], $0x1  }
0x2c: {  	[sflag:s29] =	ssyncadd.s32 $0xFFFFFFFF  }
0x2d: {  	_ =	strace $0x9000004E  }
0x2e: {  	_ =	sfence  }
0x2f: {  	s30 =	sld [smem:$0x0];
	_ =	sdelay $0x2  }
0x30: {  	s31 =	sshll.u32 s1, $0xD;
	s1 =	sshrl.u32 s1, $0x2  }
0x31: {  	s3 =	sand.u32 $0x4000, s31;
	s1 =	sadd.s32 s1, s30  }
0x32: {  	s0 =	sor.u32 s3, s0;
	s1 =	sshll.u32 s1, $0x11  }
0x33: {  	s0 =	sor.u32 s1, s0  }
0x34: {  	s0 =	sadd.s32 $0x8F2B, s0  }
0x35: {  	[sflag:s0] =	ssyncadd.remote.s32 $0x1  }
0x36: {  	_ =	sfence.sel $0xFFFF  }
0x37: {  	[dreg:$0x0] =	wrdreg $0xFFFFFFFF;
	(pc) =	sbr.abs _section_cstart, $3  }
0x38: {  	[dreg:$0x1] =	wrdreg $0xFFFFFFFF  }
0x39: {  	_ =	task.clear_ibuf [dreg:s7], $0x2FFFF;
	_ =	strace $0x9FFFFFFF  }
0x3a: {  	(tm) =	ssettm $0x7FFFFFFF  }
0x3b: {  	_ =	shalt  }
tec
execute0_lowered:
.L_overlay_start_1:
0x0: {  	(tag) =	ssettag $0x1  }
0x1: {  	s0 =	srdreg.scid  }
0x2: {  	s1 =	sshll.u32 s0, $0x4  }
0x3: {  	s0 =	stileid.u32;
	s1 =	sand.u32 $0x10, s1  }
0x4: {  	s1 =	sor.u32 s0, s1  }
0x5: {  	s6 =	rddreg [dreg:$0x0];
	s4 =	simm.s32 $0x1;
	s2 =	sshll.u32 s1, $0x7  }
0x6: {  	s7 =	simm.s32 $0x2;
	s12 =	simm.s32 $0x0;
	s1 =	ssub.s32 $0x4000, s2  }
0x7: {  	s8 =	simm.s32 $0x20000;
	s13 =	simm.s32 $0x0;
	s3 =	sand.u32 $0xF80, s1  }
0x8: {  	s9 =	simm.s32 $0x0;
	s5 =	sshrl.u32 s1, $0xC;
	p0 =	sne.s32 s3, $0x0  }
.Ltmp0:
0x9: {  	s1 =	rddreg [dreg:$0x2];
	s4 =	simm.s32 @!p0 $0x0;
	(pc) =	sbr.rel .LBB1_1-.Ltmp0, $4  }
0xa: {  	s11 =	simm.s32 $0x0;
	s3 =	rddreg [dreg:$0x1];
	s5 =	sadd.s32 s4, s5  }
0xb: {  	_ =	strace $0x8000004D;
	s4 =	simm.s32 $0x1;
	s5 =	smul.u32 $0x1A, s5  }
0xc: {  	s6 =	sadd.s32 $0xE00, s6;
	s10 =	smov.u32 s2;
	[sflag:s4] =	ssyncpa.u1 $0x0  }
0xd: {  	p0 =	por $0x0, $0x0;
	[sflag:s7] =	ssyncpa.u1 $0x0;
	s7 =	sor.u32 $0x1, s5  }
.LBB1_4:
0xe: {  	s16 =	sshll.u32 s13, $0x3;
	s17 =	sand.u32 $0x78, s13  }
0xf: {  	s30 =	sand.u32 $0xF800, s13;
	s12 =	sshll.u32 s12, $0x10;
	s16 =	sand.u32 $0x3C00, s16  }
0x10: {  	s31 =	sand.u32 $0x7, s13;
	s16 =	sor.u32 s17, s16;
	s17 =	sadd.s32 s3, s30  }
0x11: {  	s13 =	sshll.u32 s31, $0x12;
	s16 =	sshrl.u32 s16, $0x3;
	s12 =	sadd.s32 s12, s17  }
0x12: {  	[tilespmem:s15+$0x0 ss:$0x81] =	vst.msk $0xffff, v0;
	s13 =	sor.u32 $0x400, s13;
	s12 =	sadd.s32 s16, s12  }
0x13: {  	[hbm4b:s12+s13] =	stream.strided.scatter [tilespmem:s14], [sflag:$0x2], $0x1000, s8, s13, $0x20;
	[tilespmem:$0x4040] =	vst v63  }
.LBB1_5:
0x14: {  	s14 =	sadd.s32 $0x1, s9  }
0x15: {  	s12 =	sadd.s32 $0x1000, s10;
	s16 =	smov.u32 s10;
	p2 =	sgt.s32 s14, $0x19  }
0x16: {  	s16 =	smov.u32 @p2 s12  }
0x17: {  	s14 =	simm.s32 @p2 $0x0;
	p2 =	sgt.s32 s16, $0x3FFF  }
0x18: {  	s16 =	smov.u32 @p2 s2;
	p2 =	sne.s32 s11, s7  }
.Ltmp1:
0x19: {  	p1 =	slt.u32 s11, $0x2;
	(pc) =	sbr.rel @!p2 .LBB1_6-.Ltmp1, $4  }
0x1a: {  	s15 =	simm.s32 @!p1 $0x2  }
0x1b: {  	s13 =	smov.u32 s10;
	p0 =	por !p0, !p0;
	_ =	swait.ge @!p1 [sflag:s15], $0x1000  }
0x1c: {  	s12 =	smov.u32 s9;
	[sflag:s15] =	ssyncset.done @!p1 $0x0;
	s9 =	smov.u32 s14  }
0x1d: {  	s11 =	sadd.s32 $0x1, s11;
	[sflag:s15] =	ssyncadd.s32 @!p1 $0xFFFFF000;
	s10 =	smov.u32 s16  }
.LBB1_1:
0x1e: {  	p1 =	sge.u32 s11, s5  }
0x1f: {  	s31 =	sadd.s32 $0xFFFFFFFF, s11;
	s14 =	sxor.u32 @!p1 $0xFFFFFFFF, s11  }
0x20: {  	s15 =	sshll.u32 @!p1 s10, $0x9;
	s16 =	sshll.u32 @!p1 s9, $0x4;
	s17 =	simm.s32 @!p1 $0x1000  }
0x21: {  	s14 =	sshll.u32 @!p1 s14, $0xC;
	s16 =	sand.u32 @!p1 $0x1F0, s16;
	s15 =	sadd.s32 @!p1 s6, s15  }
0x22: {  	s14 =	sand.u32 @!p1 $0x1000, s14;
	s15 =	sadd.s32 @!p1 s16, s15;
	s16 =	simm.s32 @!p1 $0x20  }
0x23: {  	[tilespmem:s14], [sflag:$0x1] =	stream.strided.gather @!p1 [hbm4b:s15+s16], $0x1000, s17, s16, $0x38;
	[tilespmem:$0x4040] =	vst v63  }
0x24: {  	p1 =	sge.u32 s31, s5  }
.Ltmp2:
0x25: {  	_ = 	snop;
	(pc) =	sbr.rel @p1 .LBB1_5-.Ltmp2, $1  }
0x26: {  	_ =	sdelay $0x3  }
0x27: {  	s14 =	simm.s32 $0x1  }
0x28: {  	_ =	swait.ge [sflag:s4], $0x1000;
	s14 =	simm.s32 @!p0 $0x0  }
0x29: {  	[sflag:s4] =	ssyncset.done $0x0;
	s15 =	sshll.u32 s14, $0xC  }
0x2a: {  	[sflag:s4] =	ssyncadd.s32 $0xFFFFF000;
	s18 =	sor.u32 $0x10, s15  }
0x2b: {  	s14 =	smul.u32 $0x4080, s14;
	v1 =	vld [tilespmem:s18+$0x0]  }
0x2c: {  	s30 =	sand.u32 $0x1, s11;
	v0 =	vld [tilespmem:s18+$0xFFFFFFF0]  }
0x2d: {  	s15 =	smul.u32 $0x4080, s30;
	s14 =	sshrl.u32 s14, $0x2  }
0x2e: {  	s16 =	sor.u32 $0x2000, s14  }
0x2f: {  	s31 =	sshrl.u32 s15, $0x2;
	s15 =	sadd.s32 $0x0, s16  }
0x30: {  	s17 =	simm.s32 $0x4;
	s18 =	sadd.s32 $0x20, s18;
	s14 =	sor.u32 $0x2000, s31;
	[tilespmem:s15+$0x810 ss:$0x81] =	vst.msk $0xffff, v1  }
.LBB1_3:
0x31: {  	v1 =	vld [tilespmem:s18+$0x0];
	p1 =	sne.s32 s17, $0x1FC;
	[tilespmem:s15+$0x0 ss:$0x81] =	vst.msk $0xffff, v0;
	s15 =	smov.u32 s17;
	s17 =	sadd.s32 $0x4, s17  }
.Ltmp3:
0x32: {  	v0 =	vld [tilespmem:s18+$0xFFFFFFF0];
	(pc) =	sbr.rel @p1 .LBB1_3-.Ltmp3, $4  }
0x33: {  	_ = 	snop  }
0x34: {  	s15 =	sshra.s32 s15, $0x2  }
0x35: {  	s15 =	sadd.s32 s15, s16  }
0x36: {  	s18 =	sadd.s32 $0x20, s18;
	[tilespmem:s15+$0x810 ss:$0x81] =	vst.msk $0xffff, v1  }
.Ltmp4:
0x37: {  	_ = 	snop;
	(pc) =	sbr.rel .LBB1_4-.Ltmp4, $1  }
0x38: {  	_ =	sdelay $0x3  }
.LBB1_6:
0x39: {  	_ =	sfence.sel $0x180000  }
0x3a: {  	s2 =	simm.s32 $0x1;
	[bflag:$0x0] =	sbarrier.arrive $0xFFFF  }
0x3b: {  	s31 =	simm.s32 $0x2;
	[sflag:s2] =	ssyncpa.u1 $0x1  }
0x3c: {  	[sflag:s31] =	ssyncpa.u1 $0x1  }
0x3d: {  	p0 =	sne.s32 s0, $0x0;
	_ =	strace $0x9000004D  }
0x3e: {  	s0 =	sadd.s32 @!p0 $0x100000, s1;
	[bflag:$0x2] =	sbarrier.arrive $0xFFFF  }
0x3f: {  	[sflag:s0] =	ssyncadd.tile.s32 @!p0 $0x1;
	_ =	shalt  }
.Lfunc_end1:
_tile_overlayer_lowered:
.L_overlay_start_2:
0x40: {  	(tag) =	ssettag $0x2  }
0x41: {  	s0 =	rddreg [dreg:$0x0];
	s2 =	stileid.u32  }
0x42: {  	s1 =	rddreg [dreg:$0x1];
	p0 =	sne.s32 s2, $0x0  }
0x43: {  	s3 =	rddreg [dreg:$0x2];
	[bflag:$0x3] =	sbarrier.arrive $0xFFFF;
	s2 =	simm.s32 @!p0 $0x1C01  }
0x44: {  	[timem:s3], [sflag:s2] =	dma.local @!p0 [hbm:s0], s1  }
0x45: {  	s0 =	simm.s32 @!p0 $0x1  }
0x46: {  	_ =	swait.ge @!p0 [sflag:s0], s1  }
0x47: {  	s1 =	ssub.s32 @!p0 $0x0, s1;
	[sflag:s0] =	ssyncset.done @!p0 $0x0  }
0x48: {  	[sflag:s0] =	ssyncadd.s32 @!p0 s1  }
0x49: {  	[bflag:$0x3] =	sbarrier.arrive $0xFFFF  }
0x4a: {  	_ =	shalt  }

</sc_bundles>
